<compile_context>
chip_gen: v7x
topology: tpu7x:2x2x1
jax: 0.10.2.dev20260603
libtpu: 0.0.44.dev20260713+nightly
codegen_flags: <defaults>
</compile_context>

<pallas_src>
import jax
import jax.numpy as jnp
from jax import lax
from jax.experimental import pallas as pl
from jax.experimental.pallas import tpu as pltpu
from jax.experimental.pallas import tpu_sc as plsc

_B = 16
_N = 8400
_G = _B * _N
_CHUNK = 4224
_NV = _CHUNK // 16
_LAST = _G - _CHUNK
_INV = 1.0 / 80.0
_NP = 8448


def _roi_body(yolo_hbm, out_hbm, idx_v, in_v, out_v, sem):
    cid = lax.axis_index("c")
    sid = lax.axis_index("s")
    wid = sid * 2 + cid
    base = jnp.where(wid == 31, _LAST, wid * _CHUNK)
    b_lo = base // _N
    b_hi = jnp.minimum(b_lo + 1, _B - 1)
    lane = jnp.arange(16, dtype=jnp.int32)
    idx_v[...] = (lane & 3) * _B + jnp.where(lane >= 4, b_hi, b_lo)
    pltpu.async_copy(yolo_hbm.at[idx_v.at[pl.ds(0, 8)]], in_v, sem).wait()

    split = (b_lo + 1) * _N
    i_split = jnp.clip((split - base) // 16, 0, _NV)

    def make_step(row0, n_off, bf):
        def step(i, carry):
            off = i * 16
            n = n_off + off
            cx = in_v[row0 + 0, pl.ds(n, 16)]
            cy = in_v[row0 + 1, pl.ds(n, 16)]
            w = in_v[row0 + 2, pl.ds(n, 16)]
            h = in_v[row0 + 3, pl.ds(n, 16)]
            hw = w * 0.5
            hh = h * 0.5
            x1 = (cx - hw) * _INV
            x2 = (cx + hw) * _INV
            y1 = (cy - hh) * _INV
            y2 = (cy + hh) * _INV
            out_v[0, pl.ds(off, 16)] = bf
            out_v[1, pl.ds(off, 16)] = jnp.clip(jnp.minimum(x1, x2), 0.0, 1.0)
            out_v[2, pl.ds(off, 16)] = jnp.clip(jnp.minimum(y1, y2), 0.0, 1.0)
            out_v[3, pl.ds(off, 16)] = jnp.clip(jnp.maximum(x1, x2), 0.0, 1.0)
            out_v[4, pl.ds(off, 16)] = jnp.clip(jnp.maximum(y1, y2), 0.0, 1.0)
            return carry
        return step

    bf_lo = jnp.broadcast_to(b_lo.astype(jnp.float32), (16,))
    bf_hi = jnp.broadcast_to(b_hi.astype(jnp.float32), (16,))
    lax.fori_loop(0, i_split, make_step(0, base - b_lo * _N, bf_lo), 0)
    lax.fori_loop(i_split, _NV, make_step(4, base - split, bf_hi), 0)
    pltpu.sync_copy(out_v, out_hbm.at[:, pl.ds(base, _CHUNK)])


def kernel(yolo_output, input_images_or_features):
    del input_images_or_features
    boxes = jnp.concatenate(
        [yolo_output[:, :4, :], jnp.zeros((_B, 4, _NP - _N), jnp.float32)],
        axis=2,
    )
    rows = boxes.transpose(1, 0, 2).reshape(4 * _B, _NP)
    mesh = plsc.VectorSubcoreMesh(core_axis_name="c", subcore_axis_name="s")
    run = pl.kernel(
        _roi_body,
        out_type=jax.ShapeDtypeStruct((5, _G), jnp.float32),
        mesh=mesh,
        scratch_types=[
            pltpu.VMEM((16,), jnp.int32),
            pltpu.VMEM((8, _NP), jnp.float32),
            pltpu.VMEM((5, _CHUNK), jnp.float32),
            pltpu.SemaphoreType.DMA,
        ],
        compiler_params=pltpu.CompilerParams(
            needs_layout_passes=False,
            skip_device_barrier=True,
        ),
    )
    planes = run(rows)
    return planes.T

# --- scband reference (transcript-rebuilt; emitter-appended) ---
"""Pipeline reference for scband-yolo-output-to-rois-54434415509878 (READ-ONLY COPY).

The authoritative reference and input builder live on the scoring server;
editing this copy changes nothing except your own understanding.
"""

import jax, jax.numpy as jnp
import numpy as np


def setup_inputs(seed: int = 0) -> dict:
    key = jax.random.key(seed)
    k1, k2 = jax.random.split(key)
    yolo_output = jax.random.uniform(k1, (16, 84, 8400), dtype=jnp.float32)
    input_images_or_features = jax.random.normal(k2, (16, 256, 80, 80), dtype=jnp.float32)
    return {"yolo_output": yolo_output, "input_images_or_features": input_images_or_features}


def reference(yolo_output, input_images_or_features):
    # box_format == 'xywh', score_threshold is None
    boxes = yolo_output[:, :4, :]
    cx = boxes[:, 0, :]
    cy = boxes[:, 1, :]
    w = boxes[:, 2, :]
    h = boxes[:, 3, :]
    half_w = w * 0.5
    half_h = h * 0.5
    x1 = cx - half_w
    y1 = cy - half_h
    x2 = cx + half_w
    y2 = cy + half_h
    feat_h = input_images_or_features.shape[2]
    feat_w = input_images_or_features.shape[3]
    x1 = x1 / feat_w
    y1 = y1 / feat_h
    x2 = x2 / feat_w
    y2 = y2 / feat_h
    x_min = jnp.clip(jnp.minimum(x1, x2), 0.0, 1.0)
    y_min = jnp.clip(jnp.minimum(y1, y2), 0.0, 1.0)
    x_max = jnp.clip(jnp.maximum(x1, x2), 0.0, 1.0)
    y_max = jnp.clip(jnp.maximum(y1, y2), 0.0, 1.0)
    batch_size = yolo_output.shape[0]
    num_candidates = yolo_output.shape[2]
    batch_indices = jnp.broadcast_to(
        jnp.arange(batch_size, dtype=yolo_output.dtype)[:, None],
        (batch_size, num_candidates),
    )
    rois = jnp.stack([batch_indices, x_min, y_min, x_max, y_max], axis=2).reshape(-1, 5)
    return rois

if __name__ == "__main__":
    import jax
    _d = setup_inputs()
    print(jax.jit(kernel)(*tuple(_d.values())))

</pallas_src>

<mosaic_0001>
#map = affine_map<(d0, d1) -> (0, 0)>
module attributes {stable_mosaic.version = 14 : i64} {
  func.func @_roi_body(%arg0: i32, %arg1: i32, %arg2: memref<64x8448xf32, #tpu.memory_space<hbm>>, %arg3: memref<5x134400xf32, #tpu.memory_space<hbm>>, %arg4: memref<16xi32, #tpu.memory_space<vmem>>, %arg5: memref<8x8448xf32, #tpu.memory_space<vmem>>, %arg6: memref<5x4224xf32, #tpu.memory_space<vmem>>, %arg7: memref<!tpu.dma_semaphore, #tpu.memory_space<semaphore_mem>>) attributes {dimension_semantics = [#tpu.dimension_semantics<core_parallel>, #tpu.dimension_semantics<subcore_parallel>], iteration_bounds = array<i64: 2, 16>, scalar_prefetch = 0 : i64, scratch_operands = 4 : i64, tpu.core_type = #tpu.core_type<sc_vector_subcore>, window_params = [{transform_indices = #map}, {transform_indices = #map}]} {
    %mul3A = arith.constant 2 : i32
    %mul3A_0 = arith.muli %arg1, %mul3A : i32
    %add3A = arith.addi %mul3A_0, %arg0 : i32
    %eq3A = arith.constant 31 : i32
    %eq3A_1 = arith.cmpi eq, %add3A, %eq3A : i32
    %mul3A_2 = arith.constant 4224 : i32
    %mul3A_3 = arith.muli %add3A, %mul3A_2 : i32
    %jit3A = arith.constant 130176 : i32
    %select_n3A = arith.select %eq3A_1, %jit3A, %mul3A_3 : i32
    %jit3A_4 = arith.constant 8400 : i32
    %div3A = arith.divsi %select_n3A, %jit3A_4 : i32
    %sign3A = arith.constant 0 : i32
    %sign3A_5 = arith.cmpi sgt, %select_n3A, %sign3A : i32
    %sign3A_6 = arith.extui %sign3A_5 : i1 to i32
    %sign3A_7 = arith.constant 0 : i32
    %sign3A_8 = arith.cmpi slt, %select_n3A, %sign3A_7 : i32
    %sign3A_9 = arith.extui %sign3A_8 : i1 to i32
    %sign3A_10 = arith.subi %sign3A_6, %sign3A_9 : i32
    %sign3A_11 = arith.constant 0 : i32
    %sign3A_12 = arith.cmpi sgt, %jit3A_4, %sign3A_11 : i32
    %sign3A_13 = arith.extui %sign3A_12 : i1 to i32
    %sign3A_14 = arith.constant 0 : i32
    %sign3A_15 = arith.cmpi slt, %jit3A_4, %sign3A_14 : i32
    %sign3A_16 = arith.extui %sign3A_15 : i1 to i32
    %sign3A_17 = arith.subi %sign3A_13, %sign3A_16 : i32
    %ne3A = arith.cmpi ne, %sign3A_10, %sign3A_17 : i32
    %rem3A = arith.remsi %select_n3A, %jit3A_4 : i32
    %ne3A_18 = arith.constant 0 : i32
    %ne3A_19 = arith.cmpi ne, %rem3A, %ne3A_18 : i32
    %and3A = arith.andi %ne3A, %ne3A_19 : i1
    %sub3A = arith.constant 1 : i32
    %sub3A_20 = arith.subi %div3A, %sub3A : i32
    %select_n3A_21 = arith.select %and3A, %sub3A_20, %div3A : i32
    %add3A_22 = arith.constant 1 : i32
    %add3A_23 = arith.addi %select_n3A_21, %add3A_22 : i32
    %min3A = arith.constant 15 : i32
    %min3A_24 = arith.minsi %add3A_23, %min3A : i32
    %iota3A = tpu.iota {dimensions = array<i32: 0>} : vector<16xi32>
    %and3A_25 = arith.constant 3 : i32
    %and3A_26 = vector.broadcast %and3A_25 : i32 to vector<16xi32>
    %and3A_27 = arith.andi %iota3A, %and3A_26 : vector<16xi32>
    %mul3A_28 = arith.constant 16 : i32
    %mul3A_29 = vector.broadcast %mul3A_28 : i32 to vector<16xi32>
    %mul3A_30 = arith.muli %and3A_27, %mul3A_29 : vector<16xi32>
    %ge3A = arith.constant 4 : i32
    %ge3A_31 = vector.broadcast %ge3A : i32 to vector<16xi32>
    %ge3A_32 = arith.cmpi sge, %iota3A, %ge3A_31 : vector<16xi32>
    %broadcast_in_dim3A = vector.broadcast %min3A_24 : i32 to vector<16xi32>
    %broadcast_in_dim3A_33 = vector.broadcast %select_n3A_21 : i32 to vector<16xi32>
    %select_n3A_34 = arith.select %ge3A_32, %broadcast_in_dim3A, %broadcast_in_dim3A_33 : vector<16xi1>, vector<16xi32>
    %add3A_35 = arith.addi %mul3A_30, %select_n3A_34 : vector<16xi32>
    %swap3A = arith.constant 0 : index
    %swap3A_36 = tpu.vector_load %arg4[%swap3A] {strides = array<i32>} : memref<16xi32, #tpu.memory_space<vmem>>, vector<16xi32>,
    tpu.vector_store %arg4[%swap3A], %add3A_35 {strides = array<i32>} : memref<16xi32, #tpu.memory_space<vmem>>, vector<16xi32>,
    %dma_start3A = arith.constant 0 : i32
    %dma_start3A_37 = tpu.memref_slice %arg4[%dma_start3A] : memref<16xi32, #tpu.memory_space<vmem>> -> memref<8xi32, #tpu.memory_space<vmem>>
    %dma_start3A_38 = arith.constant 0 : i32
    %dma_start3A_39 = arith.constant 0 : i32
    %dma_start3A_40 = tpu.memref_slice %arg2[%dma_start3A_38, %dma_start3A_39] : memref<64x8448xf32, #tpu.memory_space<hbm>> -> memref<64x8448xf32, #tpu.memory_space<hbm>>
    tpu.enqueue_indirect_dma source(%dma_start3A_40 : memref<64x8448xf32, #tpu.memory_space<hbm>>) target(%arg5 : memref<8x8448xf32, #tpu.memory_space<vmem>>) offsets(%dma_start3A_37 : memref<8xi32, #tpu.memory_space<vmem>>) semaphore(%arg7 : memref<!tpu.dma_semaphore, #tpu.memory_space<semaphore_mem>>)
    %dma_wait3A = arith.constant 0 : i32
    %dma_wait3A_41 = tpu.memref_slice %arg4[%dma_wait3A] : memref<16xi32, #tpu.memory_space<vmem>> -> memref<8xi32, #tpu.memory_space<vmem>>
    %dma_wait3A_42 = arith.constant 0 : i32
    %dma_wait3A_43 = arith.constant 0 : i32
    %dma_wait3A_44 = tpu.memref_slice %arg2[%dma_wait3A_42, %dma_wait3A_43] : memref<64x8448xf32, #tpu.memory_space<hbm>> -> memref<64x8448xf32, #tpu.memory_space<hbm>>
    tpu.wait_indirect_dma semaphore(%arg7 : memref<!tpu.dma_semaphore, #tpu.memory_space<semaphore_mem>>) src(%dma_wait3A_44 : memref<64x8448xf32, #tpu.memory_space<hbm>>) dst(%arg5 : memref<8x8448xf32, #tpu.memory_space<vmem>>)
    %add3A_45 = arith.constant 1 : i32
    %add3A_46 = arith.addi %select_n3A_21, %add3A_45 : i32
    %mul3A_47 = arith.constant 8400 : i32
    %mul3A_48 = arith.muli %add3A_46, %mul3A_47 : i32
    %sub3A_49 = arith.subi %mul3A_48, %select_n3A : i32
    %jit3A_50 = arith.constant 16 : i32
    %div3A_51 = arith.divsi %sub3A_49, %jit3A_50 : i32
    %sign3A_52 = arith.constant 0 : i32
    %sign3A_53 = arith.cmpi sgt, %sub3A_49, %sign3A_52 : i32
    %sign3A_54 = arith.extui %sign3A_53 : i1 to i32
    %sign3A_55 = arith.constant 0 : i32
    %sign3A_56 = arith.cmpi slt, %sub3A_49, %sign3A_55 : i32
    %sign3A_57 = arith.extui %sign3A_56 : i1 to i32
    %sign3A_58 = arith.subi %sign3A_54, %sign3A_57 : i32
    %sign3A_59 = arith.constant 0 : i32
    %sign3A_60 = arith.cmpi sgt, %jit3A_50, %sign3A_59 : i32
    %sign3A_61 = arith.extui %sign3A_60 : i1 to i32
    %sign3A_62 = arith.constant 0 : i32
    %sign3A_63 = arith.cmpi slt, %jit3A_50, %sign3A_62 : i32
    %sign3A_64 = arith.extui %sign3A_63 : i1 to i32
    %sign3A_65 = arith.subi %sign3A_61, %sign3A_64 : i32
    %ne3A_66 = arith.cmpi ne, %sign3A_58, %sign3A_65 : i32
    %rem3A_67 = arith.remsi %sub3A_49, %jit3A_50 : i32
    %ne3A_68 = arith.constant 0 : i32
    %ne3A_69 = arith.cmpi ne, %rem3A_67, %ne3A_68 : i32
    %and3A_70 = arith.andi %ne3A_66, %ne3A_69 : i1
    %sub3A_71 = arith.constant 1 : i32
    %sub3A_72 = arith.subi %div3A_51, %sub3A_71 : i32
    %select_n3A_73 = arith.select %and3A_70, %sub3A_72, %div3A_51 : i32
    %jit3A_74 = arith.constant 0 : i32
    %jit3A_75 = arith.constant 264 : i32
    %max3A = arith.maxsi %jit3A_74, %select_n3A_73 : i32
    %min3A_76 = arith.minsi %jit3A_75, %max3A : i32
    %convert_element_type3A = arith.sitofp %select_n3A_21 : i32 to f32
    %broadcast_in_dim3A_77 = vector.broadcast %convert_element_type3A : f32 to vector<16xf32>
    %convert_element_type3A_78 = arith.sitofp %min3A_24 : i32 to f32
    %broadcast_in_dim3A_79 = vector.broadcast %convert_element_type3A_78 : f32 to vector<16xf32>
    %mul3A_80 = arith.constant 8400 : i32
    %mul3A_81 = arith.muli %select_n3A_21, %mul3A_80 : i32
    %sub3A_82 = arith.subi %select_n3A, %mul3A_81 : i32
    %while3A = arith.constant 0 : i32
    %while3A_83 = arith.constant 0 : i32
    %while3A_84 = arith.subi %min3A_76, %while3A_83 : i32
    %while3A_85 = arith.addi %while3A_83, %while3A_84 : i32
    %while3A_86 = arith.constant 1 : i32
    %while3A_87 = arith.divsi %while3A_84, %while3A_86 : i32
    %while3A_88 = arith.muli %while3A_87, %while3A_86 : i32
    %while3A_89 = arith.addi %while3A_83, %while3A_88 : i32
    %while3A_90 = arith.constant 1 : i32
    scf.for %while3A_103 = %while3A_83 to %while3A_89 step %while3A_90  : i32 {
      %mul3A_104 = arith.constant 16 : i32
      %mul3A_105 = arith.muli %while3A_103, %mul3A_104 : i32
      %add3A_106 = arith.addi %sub3A_82, %mul3A_105 : i32
      %get3A = arith.constant 0 : i32
      %get3A_107 = arith.index_cast %get3A : i32 to index
      %get3A_108 = arith.index_cast %add3A_106 : i32 to index
      %get3A_109 = tpu.vector_load %arg5[%get3A_107, %get3A_108] {strides = array<i32>} : memref<8x8448xf32, #tpu.memory_space<vmem>>, vector<16xf32>,
      %get3A_110 = arith.constant 1 : i32
      %get3A_111 = arith.index_cast %get3A_110 : i32 to index
      %get3A_112 = arith.index_cast %add3A_106 : i32 to index
      %get3A_113 = tpu.vector_load %arg5[%get3A_111, %get3A_112] {strides = array<i32>} : memref<8x8448xf32, #tpu.memory_space<vmem>>, vector<16xf32>,
      %get3A_114 = arith.constant 2 : i32
      %get3A_115 = arith.index_cast %get3A_114 : i32 to index
      %get3A_116 = arith.index_cast %add3A_106 : i32 to index
      %get3A_117 = tpu.vector_load %arg5[%get3A_115, %get3A_116] {strides = array<i32>} : memref<8x8448xf32, #tpu.memory_space<vmem>>, vector<16xf32>,
      %get3A_118 = arith.constant 3 : i32
      %get3A_119 = arith.index_cast %get3A_118 : i32 to index
      %get3A_120 = arith.index_cast %add3A_106 : i32 to index
      %get3A_121 = tpu.vector_load %arg5[%get3A_119, %get3A_120] {strides = array<i32>} : memref<8x8448xf32, #tpu.memory_space<vmem>>, vector<16xf32>,
      %mul3A_122 = arith.constant 5.000000e-01 : f32
      %mul3A_123 = vector.broadcast %mul3A_122 : f32 to vector<16xf32>
      %mul3A_124 = arith.mulf %get3A_117, %mul3A_123 : vector<16xf32>
      %mul3A_125 = arith.constant 5.000000e-01 : f32
      %mul3A_126 = vector.broadcast %mul3A_125 : f32 to vector<16xf32>
      %mul3A_127 = arith.mulf %get3A_121, %mul3A_126 : vector<16xf32>
      %sub3A_128 = arith.subf %get3A_109, %mul3A_124 : vector<16xf32>
      %mul3A_129 = arith.constant 1.250000e-02 : f32
      %mul3A_130 = vector.broadcast %mul3A_129 : f32 to vector<16xf32>
      %mul3A_131 = arith.mulf %sub3A_128, %mul3A_130 : vector<16xf32>
      %add3A_132 = arith.addf %get3A_109, %mul3A_124 : vector<16xf32>
      %mul3A_133 = arith.constant 1.250000e-02 : f32
      %mul3A_134 = vector.broadcast %mul3A_133 : f32 to vector<16xf32>
      %mul3A_135 = arith.mulf %add3A_132, %mul3A_134 : vector<16xf32>
      %sub3A_136 = arith.subf %get3A_113, %mul3A_127 : vector<16xf32>
      %mul3A_137 = arith.constant 1.250000e-02 : f32
      %mul3A_138 = vector.broadcast %mul3A_137 : f32 to vector<16xf32>
      %mul3A_139 = arith.mulf %sub3A_136, %mul3A_138 : vector<16xf32>
      %add3A_140 = arith.addf %get3A_113, %mul3A_127 : vector<16xf32>
      %mul3A_141 = arith.constant 1.250000e-02 : f32
      %mul3A_142 = vector.broadcast %mul3A_141 : f32 to vector<16xf32>
      %mul3A_143 = arith.mulf %add3A_140, %mul3A_142 : vector<16xf32>
      %swap3A_144 = arith.constant 0 : i32
      %swap3A_145 = arith.index_cast %swap3A_144 : i32 to index
      %swap3A_146 = arith.index_cast %mul3A_105 : i32 to index
      %swap3A_147 = tpu.vector_load %arg6[%swap3A_145, %swap3A_146] {strides = array<i32>} : memref<5x4224xf32, #tpu.memory_space<vmem>>, vector<16xf32>,
      tpu.vector_store %arg6[%swap3A_145, %swap3A_146], %broadcast_in_dim3A_77 {strides = array<i32>} : memref<5x4224xf32, #tpu.memory_space<vmem>>, vector<16xf32>,
      %min3A_148 = arith.minimumf %mul3A_131, %mul3A_135 : vector<16xf32>
      %jit3A_149 = arith.constant 0.000000e+00 : f32
      %jit3A_150 = arith.constant 1.000000e+00 : f32
      %max3A_151 = vector.broadcast %jit3A_149 : f32 to vector<16xf32>
      %max3A_152 = arith.maximumf %max3A_151, %min3A_148 : vector<16xf32>
      %min3A_153 = vector.broadcast %jit3A_150 : f32 to vector<16xf32>
      %min3A_154 = arith.minimumf %min3A_153, %max3A_152 : vector<16xf32>
      %swap3A_155 = arith.constant 1 : i32
      %swap3A_156 = arith.index_cast %swap3A_155 : i32 to index
      %swap3A_157 = arith.index_cast %mul3A_105 : i32 to index
      %swap3A_158 = tpu.vector_load %arg6[%swap3A_156, %swap3A_157] {strides = array<i32>} : memref<5x4224xf32, #tpu.memory_space<vmem>>, vector<16xf32>,
      tpu.vector_store %arg6[%swap3A_156, %swap3A_157], %min3A_154 {strides = array<i32>} : memref<5x4224xf32, #tpu.memory_space<vmem>>, vector<16xf32>,
      %min3A_159 = arith.minimumf %mul3A_139, %mul3A_143 : vector<16xf32>
      %jit3A_160 = arith.constant 0.000000e+00 : f32
      %jit3A_161 = arith.constant 1.000000e+00 : f32
      %max3A_162 = vector.broadcast %jit3A_160 : f32 to vector<16xf32>
      %max3A_163 = arith.maximumf %max3A_162, %min3A_159 : vector<16xf32>
      %min3A_164 = vector.broadcast %jit3A_161 : f32 to vector<16xf32>
      %min3A_165 = arith.minimumf %min3A_164, %max3A_163 : vector<16xf32>
      %swap3A_166 = arith.constant 2 : i32
      %swap3A_167 = arith.index_cast %swap3A_166 : i32 to index
      %swap3A_168 = arith.index_cast %mul3A_105 : i32 to index
      %swap3A_169 = tpu.vector_load %arg6[%swap3A_167, %swap3A_168] {strides = array<i32>} : memref<5x4224xf32, #tpu.memory_space<vmem>>, vector<16xf32>,
      tpu.vector_store %arg6[%swap3A_167, %swap3A_168], %min3A_165 {strides = array<i32>} : memref<5x4224xf32, #tpu.memory_space<vmem>>, vector<16xf32>,
      %max3A_170 = arith.maximumf %mul3A_131, %mul3A_135 : vector<16xf32>
      %jit3A_171 = arith.constant 0.000000e+00 : f32
      %jit3A_172 = arith.constant 1.000000e+00 : f32
      %max3A_173 = vector.broadcast %jit3A_171 : f32 to vector<16xf32>
      %max3A_174 = arith.maximumf %max3A_173, %max3A_170 : vector<16xf32>
      %min3A_175 = vector.broadcast %jit3A_172 : f32 to vector<16xf32>
      %min3A_176 = arith.minimumf %min3A_175, %max3A_174 : vector<16xf32>
      %swap3A_177 = arith.constant 3 : i32
      %swap3A_178 = arith.index_cast %swap3A_177 : i32 to index
      %swap3A_179 = arith.index_cast %mul3A_105 : i32 to index
      %swap3A_180 = tpu.vector_load %arg6[%swap3A_178, %swap3A_179] {strides = array<i32>} : memref<5x4224xf32, #tpu.memory_space<vmem>>, vector<16xf32>,
      tpu.vector_store %arg6[%swap3A_178, %swap3A_179], %min3A_176 {strides = array<i32>} : memref<5x4224xf32, #tpu.memory_space<vmem>>, vector<16xf32>,
      %max3A_181 = arith.maximumf %mul3A_139, %mul3A_143 : vector<16xf32>
      %jit3A_182 = arith.constant 0.000000e+00 : f32
      %jit3A_183 = arith.constant 1.000000e+00 : f32
      %max3A_184 = vector.broadcast %jit3A_182 : f32 to vector<16xf32>
      %max3A_185 = arith.maximumf %max3A_184, %max3A_181 : vector<16xf32>
      %min3A_186 = vector.broadcast %jit3A_183 : f32 to vector<16xf32>
      %min3A_187 = arith.minimumf %min3A_186, %max3A_185 : vector<16xf32>
      %swap3A_188 = arith.constant 4 : i32
      %swap3A_189 = arith.index_cast %swap3A_188 : i32 to index
      %swap3A_190 = arith.index_cast %mul3A_105 : i32 to index
      %swap3A_191 = tpu.vector_load %arg6[%swap3A_189, %swap3A_190] {strides = array<i32>} : memref<5x4224xf32, #tpu.memory_space<vmem>>, vector<16xf32>,
      tpu.vector_store %arg6[%swap3A_189, %swap3A_190], %min3A_187 {strides = array<i32>} : memref<5x4224xf32, #tpu.memory_space<vmem>>, vector<16xf32>,
    }
    %while3A_91 = arith.constant 1 : i32
    scf.for %while3A_103 = %while3A_89 to %while3A_85 step %while3A_91  : i32 {
      %mul3A_104 = arith.constant 16 : i32
      %mul3A_105 = arith.muli %while3A_103, %mul3A_104 : i32
      %add3A_106 = arith.addi %sub3A_82, %mul3A_105 : i32
      %get3A = arith.constant 0 : i32
      %get3A_107 = arith.index_cast %get3A : i32 to index
      %get3A_108 = arith.index_cast %add3A_106 : i32 to index
      %get3A_109 = tpu.vector_load %arg5[%get3A_107, %get3A_108] {strides = array<i32>} : memref<8x8448xf32, #tpu.memory_space<vmem>>, vector<16xf32>,
      %get3A_110 = arith.constant 1 : i32
      %get3A_111 = arith.index_cast %get3A_110 : i32 to index
      %get3A_112 = arith.index_cast %add3A_106 : i32 to index
      %get3A_113 = tpu.vector_load %arg5[%get3A_111, %get3A_112] {strides = array<i32>} : memref<8x8448xf32, #tpu.memory_space<vmem>>, vector<16xf32>,
      %get3A_114 = arith.constant 2 : i32
      %get3A_115 = arith.index_cast %get3A_114 : i32 to index
      %get3A_116 = arith.index_cast %add3A_106 : i32 to index
      %get3A_117 = tpu.vector_load %arg5[%get3A_115, %get3A_116] {strides = array<i32>} : memref<8x8448xf32, #tpu.memory_space<vmem>>, vector<16xf32>,
      %get3A_118 = arith.constant 3 : i32
      %get3A_119 = arith.index_cast %get3A_118 : i32 to index
      %get3A_120 = arith.index_cast %add3A_106 : i32 to index
      %get3A_121 = tpu.vector_load %arg5[%get3A_119, %get3A_120] {strides = array<i32>} : memref<8x8448xf32, #tpu.memory_space<vmem>>, vector<16xf32>,
      %mul3A_122 = arith.constant 5.000000e-01 : f32
      %mul3A_123 = vector.broadcast %mul3A_122 : f32 to vector<16xf32>
      %mul3A_124 = arith.mulf %get3A_117, %mul3A_123 : vector<16xf32>
      %mul3A_125 = arith.constant 5.000000e-01 : f32
      %mul3A_126 = vector.broadcast %mul3A_125 : f32 to vector<16xf32>
      %mul3A_127 = arith.mulf %get3A_121, %mul3A_126 : vector<16xf32>
      %sub3A_128 = arith.subf %get3A_109, %mul3A_124 : vector<16xf32>
      %mul3A_129 = arith.constant 1.250000e-02 : f32
      %mul3A_130 = vector.broadcast %mul3A_129 : f32 to vector<16xf32>
      %mul3A_131 = arith.mulf %sub3A_128, %mul3A_130 : vector<16xf32>
      %add3A_132 = arith.addf %get3A_109, %mul3A_124 : vector<16xf32>
      %mul3A_133 = arith.constant 1.250000e-02 : f32
      %mul3A_134 = vector.broadcast %mul3A_133 : f32 to vector<16xf32>
      %mul3A_135 = arith.mulf %add3A_132, %mul3A_134 : vector<16xf32>
      %sub3A_136 = arith.subf %get3A_113, %mul3A_127 : vector<16xf32>
      %mul3A_137 = arith.constant 1.250000e-02 : f32
      %mul3A_138 = vector.broadcast %mul3A_137 : f32 to vector<16xf32>
      %mul3A_139 = arith.mulf %sub3A_136, %mul3A_138 : vector<16xf32>
      %add3A_140 = arith.addf %get3A_113, %mul3A_127 : vector<16xf32>
      %mul3A_141 = arith.constant 1.250000e-02 : f32
      %mul3A_142 = vector.broadcast %mul3A_141 : f32 to vector<16xf32>
      %mul3A_143 = arith.mulf %add3A_140, %mul3A_142 : vector<16xf32>
      %swap3A_144 = arith.constant 0 : i32
      %swap3A_145 = arith.index_cast %swap3A_144 : i32 to index
      %swap3A_146 = arith.index_cast %mul3A_105 : i32 to index
      %swap3A_147 = tpu.vector_load %arg6[%swap3A_145, %swap3A_146] {strides = array<i32>} : memref<5x4224xf32, #tpu.memory_space<vmem>>, vector<16xf32>,
      tpu.vector_store %arg6[%swap3A_145, %swap3A_146], %broadcast_in_dim3A_77 {strides = array<i32>} : memref<5x4224xf32, #tpu.memory_space<vmem>>, vector<16xf32>,
      %min3A_148 = arith.minimumf %mul3A_131, %mul3A_135 : vector<16xf32>
      %jit3A_149 = arith.constant 0.000000e+00 : f32
      %jit3A_150 = arith.constant 1.000000e+00 : f32
      %max3A_151 = vector.broadcast %jit3A_149 : f32 to vector<16xf32>
      %max3A_152 = arith.maximumf %max3A_151, %min3A_148 : vector<16xf32>
      %min3A_153 = vector.broadcast %jit3A_150 : f32 to vector<16xf32>
      %min3A_154 = arith.minimumf %min3A_153, %max3A_152 : vector<16xf32>
      %swap3A_155 = arith.constant 1 : i32
      %swap3A_156 = arith.index_cast %swap3A_155 : i32 to index
      %swap3A_157 = arith.index_cast %mul3A_105 : i32 to index
      %swap3A_158 = tpu.vector_load %arg6[%swap3A_156, %swap3A_157] {strides = array<i32>} : memref<5x4224xf32, #tpu.memory_space<vmem>>, vector<16xf32>,
      tpu.vector_store %arg6[%swap3A_156, %swap3A_157], %min3A_154 {strides = array<i32>} : memref<5x4224xf32, #tpu.memory_space<vmem>>, vector<16xf32>,
      %min3A_159 = arith.minimumf %mul3A_139, %mul3A_143 : vector<16xf32>
      %jit3A_160 = arith.constant 0.000000e+00 : f32
      %jit3A_161 = arith.constant 1.000000e+00 : f32
      %max3A_162 = vector.broadcast %jit3A_160 : f32 to vector<16xf32>
      %max3A_163 = arith.maximumf %max3A_162, %min3A_159 : vector<16xf32>
      %min3A_164 = vector.broadcast %jit3A_161 : f32 to vector<16xf32>
      %min3A_165 = arith.minimumf %min3A_164, %max3A_163 : vector<16xf32>
      %swap3A_166 = arith.constant 2 : i32
      %swap3A_167 = arith.index_cast %swap3A_166 : i32 to index
      %swap3A_168 = arith.index_cast %mul3A_105 : i32 to index
      %swap3A_169 = tpu.vector_load %arg6[%swap3A_167, %swap3A_168] {strides = array<i32>} : memref<5x4224xf32, #tpu.memory_space<vmem>>, vector<16xf32>,
      tpu.vector_store %arg6[%swap3A_167, %swap3A_168], %min3A_165 {strides = array<i32>} : memref<5x4224xf32, #tpu.memory_space<vmem>>, vector<16xf32>,
      %max3A_170 = arith.maximumf %mul3A_131, %mul3A_135 : vector<16xf32>
      %jit3A_171 = arith.constant 0.000000e+00 : f32
      %jit3A_172 = arith.constant 1.000000e+00 : f32
      %max3A_173 = vector.broadcast %jit3A_171 : f32 to vector<16xf32>
      %max3A_174 = arith.maximumf %max3A_173, %max3A_170 : vector<16xf32>
      %min3A_175 = vector.broadcast %jit3A_172 : f32 to vector<16xf32>
      %min3A_176 = arith.minimumf %min3A_175, %max3A_174 : vector<16xf32>
      %swap3A_177 = arith.constant 3 : i32
      %swap3A_178 = arith.index_cast %swap3A_177 : i32 to index
      %swap3A_179 = arith.index_cast %mul3A_105 : i32 to index
      %swap3A_180 = tpu.vector_load %arg6[%swap3A_178, %swap3A_179] {strides = array<i32>} : memref<5x4224xf32, #tpu.memory_space<vmem>>, vector<16xf32>,
      tpu.vector_store %arg6[%swap3A_178, %swap3A_179], %min3A_176 {strides = array<i32>} : memref<5x4224xf32, #tpu.memory_space<vmem>>, vector<16xf32>,
      %max3A_181 = arith.maximumf %mul3A_139, %mul3A_143 : vector<16xf32>
      %jit3A_182 = arith.constant 0.000000e+00 : f32
      %jit3A_183 = arith.constant 1.000000e+00 : f32
      %max3A_184 = vector.broadcast %jit3A_182 : f32 to vector<16xf32>
      %max3A_185 = arith.maximumf %max3A_184, %max3A_181 : vector<16xf32>
      %min3A_186 = vector.broadcast %jit3A_183 : f32 to vector<16xf32>
      %min3A_187 = arith.minimumf %min3A_186, %max3A_185 : vector<16xf32>
      %swap3A_188 = arith.constant 4 : i32
      %swap3A_189 = arith.index_cast %swap3A_188 : i32 to index
      %swap3A_190 = arith.index_cast %mul3A_105 : i32 to index
      %swap3A_191 = tpu.vector_load %arg6[%swap3A_189, %swap3A_190] {strides = array<i32>} : memref<5x4224xf32, #tpu.memory_space<vmem>>, vector<16xf32>,
      tpu.vector_store %arg6[%swap3A_189, %swap3A_190], %min3A_187 {strides = array<i32>} : memref<5x4224xf32, #tpu.memory_space<vmem>>, vector<16xf32>,
    }
    %sub3A_92 = arith.subi %select_n3A, %mul3A_48 : i32
    %while3A_93 = arith.constant 0 : i32
    %while3A_94 = arith.constant 264 : i32
    %while3A_95 = arith.subi %while3A_94, %min3A_76 : i32
    %while3A_96 = arith.addi %min3A_76, %while3A_95 : i32
    %while3A_97 = arith.constant 1 : i32
    %while3A_98 = arith.divsi %while3A_95, %while3A_97 : i32
    %while3A_99 = arith.muli %while3A_98, %while3A_97 : i32
    %while3A_100 = arith.addi %min3A_76, %while3A_99 : i32
    %while3A_101 = arith.constant 1 : i32
    scf.for %while3A_103 = %min3A_76 to %while3A_100 step %while3A_101  : i32 {
      %mul3A_104 = arith.constant 16 : i32
      %mul3A_105 = arith.muli %while3A_103, %mul3A_104 : i32
      %add3A_106 = arith.addi %sub3A_92, %mul3A_105 : i32
      %get3A = arith.constant 4 : i32
      %get3A_107 = arith.index_cast %get3A : i32 to index
      %get3A_108 = arith.index_cast %add3A_106 : i32 to index
      %get3A_109 = tpu.vector_load %arg5[%get3A_107, %get3A_108] {strides = array<i32>} : memref<8x8448xf32, #tpu.memory_space<vmem>>, vector<16xf32>,
      %get3A_110 = arith.constant 5 : i32
      %get3A_111 = arith.index_cast %get3A_110 : i32 to index
      %get3A_112 = arith.index_cast %add3A_106 : i32 to index
      %get3A_113 = tpu.vector_load %arg5[%get3A_111, %get3A_112] {strides = array<i32>} : memref<8x8448xf32, #tpu.memory_space<vmem>>, vector<16xf32>,
      %get3A_114 = arith.constant 6 : i32
      %get3A_115 = arith.index_cast %get3A_114 : i32 to index
      %get3A_116 = arith.index_cast %add3A_106 : i32 to index
      %get3A_117 = tpu.vector_load %arg5[%get3A_115, %get3A_116] {strides = array<i32>} : memref<8x8448xf32, #tpu.memory_space<vmem>>, vector<16xf32>,
      %get3A_118 = arith.constant 7 : i32
      %get3A_119 = arith.index_cast %get3A_118 : i32 to index
      %get3A_120 = arith.index_cast %add3A_106 : i32 to index
      %get3A_121 = tpu.vector_load %arg5[%get3A_119, %get3A_120] {strides = array<i32>} : memref<8x8448xf32, #tpu.memory_space<vmem>>, vector<16xf32>,
      %mul3A_122 = arith.constant 5.000000e-01 : f32
      %mul3A_123 = vector.broadcast %mul3A_122 : f32 to vector<16xf32>
      %mul3A_124 = arith.mulf %get3A_117, %mul3A_123 : vector<16xf32>
      %mul3A_125 = arith.constant 5.000000e-01 : f32
      %mul3A_126 = vector.broadcast %mul3A_125 : f32 to vector<16xf32>
      %mul3A_127 = arith.mulf %get3A_121, %mul3A_126 : vector<16xf32>
      %sub3A_128 = arith.subf %get3A_109, %mul3A_124 : vector<16xf32>
      %mul3A_129 = arith.constant 1.250000e-02 : f32
      %mul3A_130 = vector.broadcast %mul3A_129 : f32 to vector<16xf32>
      %mul3A_131 = arith.mulf %sub3A_128, %mul3A_130 : vector<16xf32>
      %add3A_132 = arith.addf %get3A_109, %mul3A_124 : vector<16xf32>
      %mul3A_133 = arith.constant 1.250000e-02 : f32
      %mul3A_134 = vector.broadcast %mul3A_133 : f32 to vector<16xf32>
      %mul3A_135 = arith.mulf %add3A_132, %mul3A_134 : vector<16xf32>
      %sub3A_136 = arith.subf %get3A_113, %mul3A_127 : vector<16xf32>
      %mul3A_137 = arith.constant 1.250000e-02 : f32
      %mul3A_138 = vector.broadcast %mul3A_137 : f32 to vector<16xf32>
      %mul3A_139 = arith.mulf %sub3A_136, %mul3A_138 : vector<16xf32>
      %add3A_140 = arith.addf %get3A_113, %mul3A_127 : vector<16xf32>
      %mul3A_141 = arith.constant 1.250000e-02 : f32
      %mul3A_142 = vector.broadcast %mul3A_141 : f32 to vector<16xf32>
      %mul3A_143 = arith.mulf %add3A_140, %mul3A_142 : vector<16xf32>
      %swap3A_144 = arith.constant 0 : i32
      %swap3A_145 = arith.index_cast %swap3A_144 : i32 to index
      %swap3A_146 = arith.index_cast %mul3A_105 : i32 to index
      %swap3A_147 = tpu.vector_load %arg6[%swap3A_145, %swap3A_146] {strides = array<i32>} : memref<5x4224xf32, #tpu.memory_space<vmem>>, vector<16xf32>,
      tpu.vector_store %arg6[%swap3A_145, %swap3A_146], %broadcast_in_dim3A_79 {strides = array<i32>} : memref<5x4224xf32, #tpu.memory_space<vmem>>, vector<16xf32>,
      %min3A_148 = arith.minimumf %mul3A_131, %mul3A_135 : vector<16xf32>
      %jit3A_149 = arith.constant 0.000000e+00 : f32
      %jit3A_150 = arith.constant 1.000000e+00 : f32
      %max3A_151 = vector.broadcast %jit3A_149 : f32 to vector<16xf32>
      %max3A_152 = arith.maximumf %max3A_151, %min3A_148 : vector<16xf32>
      %min3A_153 = vector.broadcast %jit3A_150 : f32 to vector<16xf32>
      %min3A_154 = arith.minimumf %min3A_153, %max3A_152 : vector<16xf32>
      %swap3A_155 = arith.constant 1 : i32
      %swap3A_156 = arith.index_cast %swap3A_155 : i32 to index
      %swap3A_157 = arith.index_cast %mul3A_105 : i32 to index
      %swap3A_158 = tpu.vector_load %arg6[%swap3A_156, %swap3A_157] {strides = array<i32>} : memref<5x4224xf32, #tpu.memory_space<vmem>>, vector<16xf32>,
      tpu.vector_store %arg6[%swap3A_156, %swap3A_157], %min3A_154 {strides = array<i32>} : memref<5x4224xf32, #tpu.memory_space<vmem>>, vector<16xf32>,
      %min3A_159 = arith.minimumf %mul3A_139, %mul3A_143 : vector<16xf32>
      %jit3A_160 = arith.constant 0.000000e+00 : f32
      %jit3A_161 = arith.constant 1.000000e+00 : f32
      %max3A_162 = vector.broadcast %jit3A_160 : f32 to vector<16xf32>
      %max3A_163 = arith.maximumf %max3A_162, %min3A_159 : vector<16xf32>
      %min3A_164 = vector.broadcast %jit3A_161 : f32 to vector<16xf32>
      %min3A_165 = arith.minimumf %min3A_164, %max3A_163 : vector<16xf32>
      %swap3A_166 = arith.constant 2 : i32
      %swap3A_167 = arith.index_cast %swap3A_166 : i32 to index
      %swap3A_168 = arith.index_cast %mul3A_105 : i32 to index
      %swap3A_169 = tpu.vector_load %arg6[%swap3A_167, %swap3A_168] {strides = array<i32>} : memref<5x4224xf32, #tpu.memory_space<vmem>>, vector<16xf32>,
      tpu.vector_store %arg6[%swap3A_167, %swap3A_168], %min3A_165 {strides = array<i32>} : memref<5x4224xf32, #tpu.memory_space<vmem>>, vector<16xf32>,
      %max3A_170 = arith.maximumf %mul3A_131, %mul3A_135 : vector<16xf32>
      %jit3A_171 = arith.constant 0.000000e+00 : f32
      %jit3A_172 = arith.constant 1.000000e+00 : f32
      %max3A_173 = vector.broadcast %jit3A_171 : f32 to vector<16xf32>
      %max3A_174 = arith.maximumf %max3A_173, %max3A_170 : vector<16xf32>
      %min3A_175 = vector.broadcast %jit3A_172 : f32 to vector<16xf32>
      %min3A_176 = arith.minimumf %min3A_175, %max3A_174 : vector<16xf32>
      %swap3A_177 = arith.constant 3 : i32
      %swap3A_178 = arith.index_cast %swap3A_177 : i32 to index
      %swap3A_179 = arith.index_cast %mul3A_105 : i32 to index
      %swap3A_180 = tpu.vector_load %arg6[%swap3A_178, %swap3A_179] {strides = array<i32>} : memref<5x4224xf32, #tpu.memory_space<vmem>>, vector<16xf32>,
      tpu.vector_store %arg6[%swap3A_178, %swap3A_179], %min3A_176 {strides = array<i32>} : memref<5x4224xf32, #tpu.memory_space<vmem>>, vector<16xf32>,
      %max3A_181 = arith.maximumf %mul3A_139, %mul3A_143 : vector<16xf32>
      %jit3A_182 = arith.constant 0.000000e+00 : f32
      %jit3A_183 = arith.constant 1.000000e+00 : f32
      %max3A_184 = vector.broadcast %jit3A_182 : f32 to vector<16xf32>
      %max3A_185 = arith.maximumf %max3A_184, %max3A_181 : vector<16xf32>
      %min3A_186 = vector.broadcast %jit3A_183 : f32 to vector<16xf32>
      %min3A_187 = arith.minimumf %min3A_186, %max3A_185 : vector<16xf32>
      %swap3A_188 = arith.constant 4 : i32
      %swap3A_189 = arith.index_cast %swap3A_188 : i32 to index
      %swap3A_190 = arith.index_cast %mul3A_105 : i32 to index
      %swap3A_191 = tpu.vector_load %arg6[%swap3A_189, %swap3A_190] {strides = array<i32>} : memref<5x4224xf32, #tpu.memory_space<vmem>>, vector<16xf32>,
      tpu.vector_store %arg6[%swap3A_189, %swap3A_190], %min3A_187 {strides = array<i32>} : memref<5x4224xf32, #tpu.memory_space<vmem>>, vector<16xf32>,
    }
    %while3A_102 = arith.constant 1 : i32
    scf.for %while3A_103 = %while3A_100 to %while3A_96 step %while3A_102  : i32 {
      %mul3A_104 = arith.constant 16 : i32
      %mul3A_105 = arith.muli %while3A_103, %mul3A_104 : i32
      %add3A_106 = arith.addi %sub3A_92, %mul3A_105 : i32
      %get3A = arith.constant 4 : i32
      %get3A_107 = arith.index_cast %get3A : i32 to index
      %get3A_108 = arith.index_cast %add3A_106 : i32 to index
      %get3A_109 = tpu.vector_load %arg5[%get3A_107, %get3A_108] {strides = array<i32>} : memref<8x8448xf32, #tpu.memory_space<vmem>>, vector<16xf32>,
      %get3A_110 = arith.constant 5 : i32
      %get3A_111 = arith.index_cast %get3A_110 : i32 to index
      %get3A_112 = arith.index_cast %add3A_106 : i32 to index
      %get3A_113 = tpu.vector_load %arg5[%get3A_111, %get3A_112] {strides = array<i32>} : memref<8x8448xf32, #tpu.memory_space<vmem>>, vector<16xf32>,
      %get3A_114 = arith.constant 6 : i32
      %get3A_115 = arith.index_cast %get3A_114 : i32 to index
      %get3A_116 = arith.index_cast %add3A_106 : i32 to index
      %get3A_117 = tpu.vector_load %arg5[%get3A_115, %get3A_116] {strides = array<i32>} : memref<8x8448xf32, #tpu.memory_space<vmem>>, vector<16xf32>,
      %get3A_118 = arith.constant 7 : i32
      %get3A_119 = arith.index_cast %get3A_118 : i32 to index
      %get3A_120 = arith.index_cast %add3A_106 : i32 to index
      %get3A_121 = tpu.vector_load %arg5[%get3A_119, %get3A_120] {strides = array<i32>} : memref<8x8448xf32, #tpu.memory_space<vmem>>, vector<16xf32>,
      %mul3A_122 = arith.constant 5.000000e-01 : f32
      %mul3A_123 = vector.broadcast %mul3A_122 : f32 to vector<16xf32>
      %mul3A_124 = arith.mulf %get3A_117, %mul3A_123 : vector<16xf32>
      %mul3A_125 = arith.constant 5.000000e-01 : f32
      %mul3A_126 = vector.broadcast %mul3A_125 : f32 to vector<16xf32>
      %mul3A_127 = arith.mulf %get3A_121, %mul3A_126 : vector<16xf32>
      %sub3A_128 = arith.subf %get3A_109, %mul3A_124 : vector<16xf32>
      %mul3A_129 = arith.constant 1.250000e-02 : f32
      %mul3A_130 = vector.broadcast %mul3A_129 : f32 to vector<16xf32>
      %mul3A_131 = arith.mulf %sub3A_128, %mul3A_130 : vector<16xf32>
      %add3A_132 = arith.addf %get3A_109, %mul3A_124 : vector<16xf32>
      %mul3A_133 = arith.constant 1.250000e-02 : f32
      %mul3A_134 = vector.broadcast %mul3A_133 : f32 to vector<16xf32>
      %mul3A_135 = arith.mulf %add3A_132, %mul3A_134 : vector<16xf32>
      %sub3A_136 = arith.subf %get3A_113, %mul3A_127 : vector<16xf32>
      %mul3A_137 = arith.constant 1.250000e-02 : f32
      %mul3A_138 = vector.broadcast %mul3A_137 : f32 to vector<16xf32>
      %mul3A_139 = arith.mulf %sub3A_136, %mul3A_138 : vector<16xf32>
      %add3A_140 = arith.addf %get3A_113, %mul3A_127 : vector<16xf32>
      %mul3A_141 = arith.constant 1.250000e-02 : f32
      %mul3A_142 = vector.broadcast %mul3A_141 : f32 to vector<16xf32>
      %mul3A_143 = arith.mulf %add3A_140, %mul3A_142 : vector<16xf32>
      %swap3A_144 = arith.constant 0 : i32
      %swap3A_145 = arith.index_cast %swap3A_144 : i32 to index
      %swap3A_146 = arith.index_cast %mul3A_105 : i32 to index
      %swap3A_147 = tpu.vector_load %arg6[%swap3A_145, %swap3A_146] {strides = array<i32>} : memref<5x4224xf32, #tpu.memory_space<vmem>>, vector<16xf32>,
      tpu.vector_store %arg6[%swap3A_145, %swap3A_146], %broadcast_in_dim3A_79 {strides = array<i32>} : memref<5x4224xf32, #tpu.memory_space<vmem>>, vector<16xf32>,
      %min3A_148 = arith.minimumf %mul3A_131, %mul3A_135 : vector<16xf32>
      %jit3A_149 = arith.constant 0.000000e+00 : f32
      %jit3A_150 = arith.constant 1.000000e+00 : f32
      %max3A_151 = vector.broadcast %jit3A_149 : f32 to vector<16xf32>
      %max3A_152 = arith.maximumf %max3A_151, %min3A_148 : vector<16xf32>
      %min3A_153 = vector.broadcast %jit3A_150 : f32 to vector<16xf32>
      %min3A_154 = arith.minimumf %min3A_153, %max3A_152 : vector<16xf32>
      %swap3A_155 = arith.constant 1 : i32
      %swap3A_156 = arith.index_cast %swap3A_155 : i32 to index
      %swap3A_157 = arith.index_cast %mul3A_105 : i32 to index
      %swap3A_158 = tpu.vector_load %arg6[%swap3A_156, %swap3A_157] {strides = array<i32>} : memref<5x4224xf32, #tpu.memory_space<vmem>>, vector<16xf32>,
      tpu.vector_store %arg6[%swap3A_156, %swap3A_157], %min3A_154 {strides = array<i32>} : memref<5x4224xf32, #tpu.memory_space<vmem>>, vector<16xf32>,
      %min3A_159 = arith.minimumf %mul3A_139, %mul3A_143 : vector<16xf32>
      %jit3A_160 = arith.constant 0.000000e+00 : f32
      %jit3A_161 = arith.constant 1.000000e+00 : f32
      %max3A_162 = vector.broadcast %jit3A_160 : f32 to vector<16xf32>
      %max3A_163 = arith.maximumf %max3A_162, %min3A_159 : vector<16xf32>
      %min3A_164 = vector.broadcast %jit3A_161 : f32 to vector<16xf32>
      %min3A_165 = arith.minimumf %min3A_164, %max3A_163 : vector<16xf32>
      %swap3A_166 = arith.constant 2 : i32
      %swap3A_167 = arith.index_cast %swap3A_166 : i32 to index
      %swap3A_168 = arith.index_cast %mul3A_105 : i32 to index
      %swap3A_169 = tpu.vector_load %arg6[%swap3A_167, %swap3A_168] {strides = array<i32>} : memref<5x4224xf32, #tpu.memory_space<vmem>>, vector<16xf32>,
      tpu.vector_store %arg6[%swap3A_167, %swap3A_168], %min3A_165 {strides = array<i32>} : memref<5x4224xf32, #tpu.memory_space<vmem>>, vector<16xf32>,
      %max3A_170 = arith.maximumf %mul3A_131, %mul3A_135 : vector<16xf32>
      %jit3A_171 = arith.constant 0.000000e+00 : f32
      %jit3A_172 = arith.constant 1.000000e+00 : f32
      %max3A_173 = vector.broadcast %jit3A_171 : f32 to vector<16xf32>
      %max3A_174 = arith.maximumf %max3A_173, %max3A_170 : vector<16xf32>
      %min3A_175 = vector.broadcast %jit3A_172 : f32 to vector<16xf32>
      %min3A_176 = arith.minimumf %min3A_175, %max3A_174 : vector<16xf32>
      %swap3A_177 = arith.constant 3 : i32
      %swap3A_178 = arith.index_cast %swap3A_177 : i32 to index
      %swap3A_179 = arith.index_cast %mul3A_105 : i32 to index
      %swap3A_180 = tpu.vector_load %arg6[%swap3A_178, %swap3A_179] {strides = array<i32>} : memref<5x4224xf32, #tpu.memory_space<vmem>>, vector<16xf32>,
      tpu.vector_store %arg6[%swap3A_178, %swap3A_179], %min3A_176 {strides = array<i32>} : memref<5x4224xf32, #tpu.memory_space<vmem>>, vector<16xf32>,
      %max3A_181 = arith.maximumf %mul3A_139, %mul3A_143 : vector<16xf32>
      %jit3A_182 = arith.constant 0.000000e+00 : f32
      %jit3A_183 = arith.constant 1.000000e+00 : f32
      %max3A_184 = vector.broadcast %jit3A_182 : f32 to vector<16xf32>
      %max3A_185 = arith.maximumf %max3A_184, %max3A_181 : vector<16xf32>
      %min3A_186 = vector.broadcast %jit3A_183 : f32 to vector<16xf32>
      %min3A_187 = arith.minimumf %min3A_186, %max3A_185 : vector<16xf32>
      %swap3A_188 = arith.constant 4 : i32
      %swap3A_189 = arith.index_cast %swap3A_188 : i32 to index
      %swap3A_190 = arith.index_cast %mul3A_105 : i32 to index
      %swap3A_191 = tpu.vector_load %arg6[%swap3A_189, %swap3A_190] {strides = array<i32>} : memref<5x4224xf32, #tpu.memory_space<vmem>>, vector<16xf32>,
      tpu.vector_store %arg6[%swap3A_189, %swap3A_190], %min3A_187 {strides = array<i32>} : memref<5x4224xf32, #tpu.memory_space<vmem>>, vector<16xf32>,
    }
    "tpu.region"() ({
      %run_scoped3A = tpu.sem_alloc : memref<!tpu.dma_semaphore, #tpu.memory_space<semaphore_mem>>
      %dma_start3A_103 = arith.constant 0 : i32
      %dma_start3A_104 = tpu.memref_slice %arg3[%dma_start3A_103, %select_n3A] : memref<5x134400xf32, #tpu.memory_space<hbm>> -> memref<5x4224xf32, #tpu.memory_space<hbm>>
      %dma_start3A_105 = arith.constant 0 : i32
      %dma_start3A_106 = tpu.memref_slice %arg3[%dma_start3A_105, %select_n3A] : memref<5x134400xf32, #tpu.memory_space<hbm>> -> memref<5x4224xf32, #tpu.memory_space<hbm>>
      tpu.enqueue_dma source(%arg6 : memref<5x4224xf32, #tpu.memory_space<vmem>>) target(%dma_start3A_106 : memref<5x4224xf32, #tpu.memory_space<hbm>>) target_semaphore(%run_scoped3A : memref<!tpu.dma_semaphore, #tpu.memory_space<semaphore_mem>>)
      %dma_wait3A_107 = arith.constant 0 : i32
      %dma_wait3A_108 = tpu.memref_slice %arg3[%dma_wait3A_107, %select_n3A] : memref<5x134400xf32, #tpu.memory_space<hbm>> -> memref<5x4224xf32, #tpu.memory_space<hbm>>
      %dma_wait3A_109 = arith.constant 0 : i32
      %dma_wait3A_110 = tpu.memref_slice %arg3[%dma_wait3A_109, %select_n3A] : memref<5x134400xf32, #tpu.memory_space<hbm>> -> memref<5x4224xf32, #tpu.memory_space<hbm>>
      tpu.wait_dma2 semaphore(%run_scoped3A : memref<!tpu.dma_semaphore, #tpu.memory_space<semaphore_mem>>) src(%arg6 : memref<5x4224xf32, #tpu.memory_space<vmem>>) dst(%dma_wait3A_110 : memref<5x4224xf32, #tpu.memory_space<hbm>>)
      tpu.yield
    }) : () -> ()
    return
  }
}

</mosaic_0001>

<sc_bundles>
// kernel: kernel.3.cloned.1.call-start
scs
__scs_entry_jumppad:
0x0: {  	(pc) =	sbr.rel $0x88, $3  }
0x1: {  	(tag) =	ssettag $0x0;
	lr =	simm.s32 $0x1  }
0x2: {  	[smem:$0x3FA0] =	sst lr;
	_ =	strace $0xD0000000  }
0x3: {  	_ = 	snop  }
0x4: {  	_ = 	snop  }
0x5: {  	_ = 	snop  }
0x6: {  	_ = 	snop  }
0x7: {  	_ = 	snop  }
__scs_overlays_trampoline_lowered:
0x8: {  	[smem:$0x3FAF] =	sst s0  }
0x9: {  	[smem:$0x3FB0] =	sst s1  }
0xa: {  	[smem:$0x3FB1] =	sst s2  }
0xb: {  	[smem:$0x3FB2] =	sst s3  }
0xc: {  	[smem:$0x3FB3] =	sst s4  }
0xd: {  	[smem:$0x3FB4] =	sst s5  }
0xe: {  	[smem:$0x3FB5] =	sst s6  }
0xf: {  	[smem:$0x3FB6] =	sst s7  }
0x10: {  	[smem:$0x3FB7] =	sst s8  }
0x11: {  	[smem:$0x3FB8] =	sst s9;
	s0 =	simm.s32 @!p0 $0x0  }
0x12: {  	s1 =	sld [smem:$0x3F9E];
	s0 =	simm.s32 @p0 $0x1  }
0x13: {  	[smem:$0x3FB9] =	sst s0;
	s0 =	simm.s32 @!p1 $0x0  }
0x14: {  	s2 =	sld [smem:$0x3F9D];
	s0 =	simm.s32 @p1 $0x1  }
0x15: {  	[smem:$0x3FBA] =	sst s0;
	s0 =	simm.s32 @!p2 $0x0  }
0x16: {  	s3 =	sld [smem:$0x3FDB];
	s0 =	simm.s32 @p2 $0x1  }
0x17: {  	s4 =	simm.s32 $0x1BF5;
	[smem:$0x3FBC] =	sst s0  }
0x18: {  	s0 =	sld [smem:$0x3F9F];
	_ =	swait.ge [sflag:s4], $0x0  }
0x19: {  	s7 =	sld [smem:$0x3FA0]  }
0x1a: {  	s8 =	sadd.s32 $0xFFFFE003, lr  }
0x1b: {  	s9 =	sadd.s32 $0xFFFFFEF7, lr;
	s5 =	simm.s32 $0xFFFFFFFF;
	p2 =	slt.u32 s8, $0xFFFFF086  }
0x1c: {  	p1 =	slt.u32 s9, $0xF7A;
	s5 =	simm.s32 @!p2 $0x0  }
0x1d: {  	s5 =	simm.s32 @p1 $0x1;
	p0 =	seq.s32 s7, s2  }
0x1e: {  	s7 =	smul.u32 @!p0 $0xF7A, s2;
	p2 =	seq.s32 @!p0 s5, $0x0  }
0x1f: {  	s9 =	smul.u32 $0xF7A, s1;
	s8 =	simm.s32 @!p0 $0x1BF5;
	p2 =	por !p2, p0  }
0x20: {  	[sflag:s8] =	ssyncset.s32 @!p0 $0xFFFFF086;
	s6 =	sadd.s32 @!p0 s3, s7;
	s7 =	simm.s32 @!p0 $0x108  }
0x21: {  	s3 =	sadd.s32 s3, s9;
	s6 =	sadd.s32 @!p0 $0x88, s6;
	s7 =	simm.s32 @p2 $0x1082  }
0x22: {  	[simem:s7], [sflag:s8] =	dma.local @!p0 [hbm:s6], $0xF7A  }
0x23: {  	s9 =	sor.u32 $0xD0000000, s2;
	s6 =	simm.s32 $0x108;
	_ =	swait.ge @!p0 [sflag:s8], $0x0  }
0x24: {  	s3 =	sadd.s32 $0x88, s3;
	s6 =	simm.s32 @!p1 $0x1082;
	[sflag:s4] =	ssyncset.s32 $0xFFFFF086  }
0x25: {  	[simem:s6], [sflag:s4] =	dma.local [hbm:s3], $0xF7A  }
0x26: {  	[smem:$0x3FA0] =	sst s1;
	(tag) =	ssettag s2;
	_ =	strace s9  }
0x27: {  	s1 =	sld [smem:$0x3FB0]  }
0x28: {  	s2 =	sld [smem:$0x3FB1]  }
0x29: {  	s4 =	sld [smem:$0x3FB3]  }
0x2a: {  	p0 =	seq.s32 s5, $0x0;
	s5 =	sld [smem:$0x3FB4]  }
0x2b: {  	s6 =	sld [smem:$0x3FB5]  }
0x2c: {  	s7 =	sld [smem:$0x3FB6]  }
0x2d: {  	s3 =	simm.s32 $0x108;
	s8 =	sld [smem:$0x3FB7]  }
0x2e: {  	s3 =	simm.s32 @!p0 $0x1082;
	s9 =	sld [smem:$0x3FB8]  }
0x2f: {  	lr =	sadd.s32 s0, s3;
	s0 =	sld [smem:$0x3FAF]  }
0x30: {  	s3 =	sld [smem:$0x3FB2]  }
0x31: {  	[smem:$0x3FBB] =	sst s10  }
0x32: {  	s10 =	sld [smem:$0x3FB9];
	_ =	sdelay $0x3  }
0x33: {  	p0 =	seq.s32 s10, $0x1;
	s10 =	sld [smem:$0x3FBB];
	_ =	sdelay $0x3  }
0x34: {  	[smem:$0x3FBB] =	sst s10  }
0x35: {  	s10 =	sld [smem:$0x3FBA];
	_ =	sdelay $0x3  }
0x36: {  	p1 =	seq.s32 s10, $0x1;
	s10 =	sld [smem:$0x3FBB];
	_ =	sdelay $0x3  }
0x37: {  	[smem:$0x3FBB] =	sst s10  }
0x38: {  	s10 =	sld [smem:$0x3FBC]  }
0x39: {  	_ = 	snop;
	(pc) =	sbr.ind lr, $3  }
0x3a: {  	_ = 	snop  }
0x3b: {  	_ = 	snop  }
0x3c: {  	p2 =	seq.s32 s10, $0x1;
	s10 =	sld [smem:$0x3FBB]  }
0x3d: {  	_ =	shalt  }
0x3e: {  	_ =	shalt  }
0x3f: {  	_ =	shalt  }
0x40: {  	_ =	shalt  }
0x41: {  	_ =	shalt  }
0x42: {  	_ =	shalt  }
0x43: {  	_ =	shalt  }
0x44: {  	_ =	shalt  }
0x45: {  	_ =	shalt  }
0x46: {  	_ =	shalt  }
0x47: {  	_ =	shalt  }
0x48: {  	_ =	shalt  }
0x49: {  	_ =	shalt  }
0x4a: {  	_ =	shalt  }
0x4b: {  	_ =	shalt  }
0x4c: {  	_ =	shalt  }
0x4d: {  	_ =	shalt  }
0x4e: {  	_ =	shalt  }
0x4f: {  	_ =	shalt  }
0x50: {  	_ =	shalt  }
0x51: {  	_ =	shalt  }
0x52: {  	_ =	shalt  }
0x53: {  	_ =	shalt  }
0x54: {  	_ =	shalt  }
0x55: {  	_ =	shalt  }
0x56: {  	_ =	shalt  }
0x57: {  	_ =	shalt  }
0x58: {  	_ =	shalt  }
0x59: {  	_ =	shalt  }
0x5a: {  	_ =	shalt  }
0x5b: {  	_ =	shalt  }
0x5c: {  	_ =	shalt  }
0x5d: {  	_ =	shalt  }
0x5e: {  	_ =	shalt  }
0x5f: {  	_ =	shalt  }
0x60: {  	_ =	shalt  }
0x61: {  	_ =	shalt  }
0x62: {  	_ =	shalt  }
0x63: {  	_ =	shalt  }
0x64: {  	_ =	shalt  }
0x65: {  	_ =	shalt  }
0x66: {  	_ =	shalt  }
0x67: {  	_ =	shalt  }
0x68: {  	_ =	shalt  }
0x69: {  	_ =	shalt  }
0x6a: {  	_ =	shalt  }
0x6b: {  	_ =	shalt  }
0x6c: {  	_ =	shalt  }
0x6d: {  	_ =	shalt  }
0x6e: {  	_ =	shalt  }
0x6f: {  	_ =	shalt  }
0x70: {  	_ =	shalt  }
0x71: {  	_ =	shalt  }
0x72: {  	_ =	shalt  }
0x73: {  	_ =	shalt  }
0x74: {  	_ =	shalt  }
0x75: {  	_ =	shalt  }
0x76: {  	_ =	shalt  }
0x77: {  	_ =	shalt  }
0x78: {  	_ =	shalt  }
0x79: {  	_ =	shalt  }
0x7a: {  	_ =	shalt  }
0x7b: {  	_ =	shalt  }
0x7c: {  	_ =	shalt  }
0x7d: {  	_ =	shalt  }
0x7e: {  	_ =	shalt  }
0x7f: {  	_ =	shalt  }
0x80: {  	_ =	shalt  }
0x81: {  	_ =	shalt  }
0x82: {  	_ =	shalt  }
0x83: {  	_ =	shalt  }
0x84: {  	_ =	shalt  }
0x85: {  	_ =	shalt  }
0x86: {  	_ =	shalt  }
0x87: {  	_ =	shalt  }
.Lfunc_end0:
.L_simem_size_0:
called_computation_lowered:
.L_overlay_start_0:
0x88: {  	s2 =	sld [smem:$0x3FD9]  }
0x89: {  	s3 =	sld [smem:$0x3FFE];
	_ =	sdelay $0x1  }
0x8a: {  	s1 =	srdreg.scid  }
0x8b: {  	s0 =	sand.u32 $0x1, s1  }
0x8c: {  	s17 =	sshll.u32 s0, $0xA;
	s2 =	sadd.s32 s3, s2  }
0x8d: {  	s2 =	sadd.s32 s2, s17  }
0x8e: {  	[smem:$0x3FC7] =	sst s2  }
0x8f: {  	_ = 	snop  }
0x90: {  	s2 =	sld [smem:$0x3FD0];
	(tm) =	ssettm $0x1  }
0x91: {  	s18 =	sld [smem:$0x3FFB];
	_ =	sdelay $0x3  }
0x92: {  	_ =	strace s18  }
0x93: {  	s3 =	sld [smem:$0x3FFC];
	_ =	sdelay $0x3  }
0x94: {  	_ =	strace s3  }
0x95: {  	s3 =	sld [smem:$0x3FFD];
	_ =	sdelay $0x3  }
0x96: {  	_ =	strace s3  }
0x97: {  	_ =	strace $0x8FFFFFFF  }
0x98: {  	s19 =	sld [smem:$0x3FDB];
	_ =	sdelay $0x1  }
0x99: {  	s4 =	simm.s32 $_scs_section_size  }
0x9a: {  	s5 =	simm.s32 $_size__tile_overlayer_lowered;
	s6 =	simm.s32 $_tile_overlayer_lowered  }
0x9b: {  	s22 =	simm.s32 $0x1BFF;
	s21 =	sshll.u32 s6, $0x1;
	s3 =	sadd.s32 s4, s19  }
0x9c: {  	s7 =	simm.s32 $0x0;
	s20 =	sshll.u32 s5, $0x1;
	s5 =	sadd.s32 s21, s3  }
0x9d: {  	[timem:s7], [sflag:s22] =	dma.local [hbm:s5], s20  }
0x9e: {  	_ =	swait.ge [sflag:s22], s20  }
0x9f: {  	s4 =	ssub.s32 $0x0, s20;
	[sflag:s22] =	ssyncset.done $0x0  }
0xa0: {  	[sflag:s22] =	ssyncadd.s32 s4;
	_ =	sdelay $0x1  }
0xa1: {  	s23 =	simm.s32 $0x1B8B  }
0xa2: {  	_ =	swait.ge [sflag:s23], $0x1  }
0xa3: {  	[sflag:s23] =	ssyncset.done $0x0  }
0xa4: {  	s25 =	simm.s32 $0x1B8E;
	s24 =	sld [smem:$0x3FFE];
	[sflag:s23] =	ssyncadd.s32 $0xFFFFFFFF  }
0xa5: {  	s26 =	simm.s32 $execute0_lowered;
	[smem:$0x3FD2] =	sst s25  }
0xa6: {  	s5 =	sshll.u32 s26, $0x1;
	_ =	strace $0x80000046;
	[dreg:$0x1] =	wrdreg $0xFFFFFFFF  }
0xa7: {  	s28 =	simm.s32 $_size_execute0_lowered;
	s3 =	sadd.s32 s3, s5;
	[dreg:$0x0] =	wrdreg $0x0  }
0xa8: {  	s5 =	sshll.u32 s28, $0x1;
	[dreg:$0x2] =	wrdreg s3  }
0xa9: {  	[dreg:$0x3] =	wrdreg s5  }
0xaa: {  	[dreg:$0x4] =	wrdreg $0xC0  }
0xab: {  	_ =	task [dreg:s7], $0x5FFFF  }
0xac: {  	[dreg:$0x1] =	wrdreg $0xFFFFFFFF  }
0xad: {  	[dreg:$0x0] =	wrdreg $0x60  }
0xae: {  	[dreg:$0x2] =	wrdreg s24  }
0xaf: {  	[dreg:$0x3] =	wrdreg s2  }
0xb0: {  	[dreg:$0x4] =	wrdreg $0x9  }
0xb1: {  	_ =	task.clear_ibuf [dreg:s7], $0x5FFFF;
	_ =	strace $0x90000046  }
0xb2: {  	s29 =	simm.s32 $0x9;
	_ =	strace $0x80000048  }
0xb3: {  	_ =	swait.ge [sflag:s29], $0x1  }
0xb4: {  	[sflag:s29] =	ssyncadd.s32 $0xFFFFFFFF  }
0xb5: {  	_ =	strace $0x90000048  }
0xb6: {  	_ =	sfence  }
0xb7: {  	s30 =	sld [smem:$0x0];
	_ =	sdelay $0x2  }
0xb8: {  	s31 =	sshll.u32 s1, $0xD;
	s1 =	sshrl.u32 s1, $0x2  }
0xb9: {  	s3 =	sand.u32 $0x4000, s31;
	s1 =	sadd.s32 s1, s30  }
0xba: {  	s0 =	sor.u32 s3, s0;
	s1 =	sshll.u32 s1, $0x11  }
0xbb: {  	s0 =	sor.u32 s1, s0  }
0xbc: {  	s0 =	sadd.s32 $0x8F2B, s0  }
0xbd: {  	[sflag:s0] =	ssyncadd.remote.s32 $0x1  }
0xbe: {  	_ =	sfence.sel $0xFFFF  }
0xbf: {  	[dreg:$0x0] =	wrdreg $0xFFFFFFFF;
	(pc) =	sbr.abs _section_cstart, $3  }
0xc0: {  	[dreg:$0x1] =	wrdreg $0xFFFFFFFF  }
0xc1: {  	_ =	task.clear_ibuf [dreg:s7], $0x2FFFF;
	_ =	strace $0x9FFFFFFF  }
0xc2: {  	(tm) =	ssettm $0x7FFFFFFF  }
0xc3: {  	_ =	shalt  }
tec
execute0_lowered:
.L_overlay_start_1:
0x0: {  	(tag) =	ssettag $0x1  }
0x1: {  	s9 =	rddreg [dreg:$0x0]  }
0x2: {  	s20 =	rddreg [dreg:$0x1];
	s2 =	simm.s32 $0x0  }
0x3: {  	[smem:$0x7FF] =	sst s2;
	s6 =	sadd.s32 $0x800, s9  }
0x4: {  	s21 =	sadd.s32 $0x900, s9;
	_ =	strace $0x80000047;
	[dreg:$0x3] =	wrdreg s6  }
0x5: {  	s22 =	sadd.s32 $0xA00, s9;
	[dreg:$0x4] =	wrdreg s21  }
0x6: {  	s23 =	sadd.s32 $0xB00, s9;
	[dreg:$0x5] =	wrdreg s22  }
0x7: {  	s24 =	sadd.s32 $0xC00, s9;
	[dreg:$0x6] =	wrdreg s23  }
0x8: {  	s25 =	sadd.s32 $0xD00, s9;
	[dreg:$0x7] =	wrdreg s24  }
0x9: {  	s28 =	sadd.s32 $0xE00, s9;
	[dreg:$0x8] =	wrdreg s25  }
0xa: {  	s29 =	sadd.s32 $0xF00, s9;
	[dreg:$0x9] =	wrdreg s28  }
0xb: {  	s30 =	sadd.s32 $0x1000, s9;
	[dreg:$0xa] =	wrdreg s29  }
0xc: {  	s0 =	srdreg.scid;
	s31 =	sadd.s32 $0x1100, s9;
	[dreg:$0xb] =	wrdreg s30  }
0xd: {  	s1 =	stileid.u32;
	s8 =	sadd.s32 $0x1200, s9;
	[dreg:$0xc] =	wrdreg s31  }
0xe: {  	s0 =	sand.u32 $0x1, s0;
	s13 =	sadd.s32 $0x1300, s9;
	[dreg:$0xd] =	wrdreg s8  }
0xf: {  	s1 =	sshll.u32 s1, $0x1;
	s19 =	sadd.s32 $0x1400, s9;
	[dreg:$0xe] =	wrdreg s13  }
0x10: {  	s1 =	sor.u32 s0, s1;
	[dreg:$0x10] =	wrdreg s19;
	s21 =	sadd.s32 $0x1600, s9  }
0x11: {  	s0 =	ssub.s32 $0x2, s0;
	s22 =	sadd.s32 $0x1700, s9;
	[dreg:$0x12] =	wrdreg s21  }
0x12: {  	s23 =	sadd.s32 $0x1800, s9;
	s24 =	sadd.s32 $0x1900, s9;
	[dreg:$0x13] =	wrdreg s22  }
0x13: {  	s25 =	sadd.s32 $0x1A00, s9;
	s28 =	sadd.s32 $0x1C00, s9;
	[dreg:$0x14] =	wrdreg s23  }
0x14: {  	s29 =	sadd.s32 $0x1D00, s9;
	s30 =	sadd.s32 $0x1E00, s9;
	[dreg:$0x15] =	wrdreg s24  }
0x15: {  	s31 =	sadd.s32 $0x1F00, s9;
	s6 =	sadd.s32 $0x2500, s9;
	[dreg:$0x16] =	wrdreg s25  }
0x16: {  	s8 =	sadd.s32 $0x2700, s9;
	s3 =	smul.u32 $0x1080, s1;
	[dreg:$0x18] =	wrdreg s28  }
0x17: {  	s19 =	simm.s32 $0x0;
	p0 =	seq.s32 s1, $0x1F;
	[dreg:$0x19] =	wrdreg s29  }
0x18: {  	s4 =	sshrl.u32 s0, $0x1;
	[dreg:$0x1a] =	wrdreg s30;
	s3 =	simm.s32 @p0 $0x1FC80  }
0x19: {  	[dreg:$0x1b] =	wrdreg s31;
	s10 =	ssub.s32 s0, s4;
	s11 =	smulhi.u32 $0x7CD4A, s3  }
0x1a: {  	s1 =	sadd.s32 $0x2000, s9;
	s0 =	sadd.s32 $0x2100, s9;
	s10 =	smax.u32 s10, $0x1  }
0x1b: {  	s17 =	sadd.s32 s20, s3;
	s20 =	sadd.s32 $0x1500, s9;
	s7 =	smul.u32 $0xFFFFDF30, s11  }
0x1c: {  	[dreg:$0xf] =	wrdreg s17;
	s5 =	sadd.s32 $0x1, s11;
	s14 =	smul.u32 $0x10680, s11  }
0x1d: {  	s18 =	sshll.u32 s3, $0x3;
	[dreg:$0x11] =	wrdreg s20;
	s12 =	smin.u32 s5, $0xF  }
0x1e: {  	s26 =	smul.u32 $0x20D0, s5;
	s15 =	sadd.s32 s3, s7;
	s18 =	ssub.s32 s18, s14  }
0x1f: {  	s7 =	sadd.s32 $0x2600, s9;
	s14 =	scvt.s32.f32 s11;
	s17 =	scvt.s32.f32 s12  }
0x20: {  	v3 =	vlaneseq.u32;
	s5 =	ssub.s32 s26, s3;
	s16 =	ssub.s32 s3, s26;
	s26 =	sadd.s32 $0x1B00, s9  }
0x21: {  	vm0 =	vmmov $0xf;
	v0 =	vand.u32 $0x3, v3;
	s3 =	sadd.s32 $0x2200, s9;
	s4 =	sshra.s32 s5, $0x4;
	[dreg:$0x17] =	wrdreg s26  }
.Ltmp0:
0x22: {  	v2 =	vmul.u32 $0x10, v0;
	v1 =	vmov s12;
	s5 =	sadd.s32 $0x2400, s9;
	v0 =	vmov s14;
	s14 =	simm.s32 $0x1;
	(pc) =	sbr.rel .LBB2_1-.Ltmp0, $4  }
0x23: {  	v4 =	vsel vm0, s11, v1;
	v1 =	vmov s17;
	s17 =	simm.s32 $0x2;
	p0 =	sgt.s32 s4, $0x0;
	s13 =	smov.u32 s4  }
0x24: {  	p1 =	sgt.s32 s4, $0x107;
	s13 =	simm.s32 @!p0 $0x0;
	p0 =	slt.s32 s4, $0x1  }
0x25: {  	v2 =	vadd.s32 v2, v4;
	v4 =	vshrl.u32 v3, $0x3;
	s4 =	sadd.s32 $0x2300, s9;
	s9 =	sadd.s32 $0x2800, s9;
	s13 =	smin.u32 s13, $0x108  }
0x26: {  	vm0 =	vmmov $0xffff;
	v3 =	vand.u32 $0x7, v3;
	v4 =	vmul.u32 $0x8, v4;
	s22 =	sshll.u32 s13, $0x4;
	s21 =	sshll.u32 s13, $0x7;
	s13 =	sadd.s32 $0xFFFEF980, s18  }
.LBB2_9:
0x27: {  	s11 =	smov.u32 s22;
	s12 =	smov.u32 s21  }
.LBB2_14:
0x28: {  	v7 =	vld @p2 [tilespmem:s23+$0x280]  }
0x29: {  	v8 =	vld @p2 [tilespmem:s23+$0x300];
	_ =	sdelay $0x1  }
0x2a: {  	v6 =	vmul.f32 @p2 $5.000000000e-01, v6  }
0x2b: {  	v5 =	vmul.f32 @p2 $5.000000000e-01, v5  }
0x2c: {  	v9 =	vsub.f32 @p2 v7, v6;
	v6 =	vadd.f32 @p2 v6, v7  }
0x2d: {  	v7 =	vsub.f32 @p2 v8, v5;
	v5 =	vadd.f32 @p2 v5, v8  }
0x2e: {  	v8 =	vmul.f32 @p2 $1.250000020e-02, v9;
	v6 =	vmul.f32 @p2 $1.250000020e-02, v6  }
0x2f: {  	v7 =	vmul.f32 @p2 $1.250000020e-02, v7;
	v5 =	vmul.f32 @p2 $1.250000020e-02, v5  }
0x30: {  	s20 =	sor.u32 @p2 s26, s25;
	v9 =	vclamp.gez.f32 @p2 v8, v6  }
0x31: {  	[tilespmem:s20+$0x10880] =	vst @p2 v1;
	s20 =	sadd.s32 @p2 $0x10880, s20;
	v6 =	vmax.f32 @p2 v8, v6;
	v8 =	vmin.f32 @p2 v9, $1.000000000e+00;
	v9 =	vclamp.gez.f32 @p2 v7, v5  }
0x32: {  	v6 =	vmax.f32 @p2 v6, $0.0e+00;
	v5 =	vmax.f32 @p2 v7, v5;
	[tilespmem:s20+$0x80] =	vst @p2 v8;
	v8 =	vmin.f32 @p2 v9, $1.000000000e+00  }
0x33: {  	s11 =	sadd.s32 s11, s16;
	s30 =	sadd.s32 s12, s13;
	v6 =	vmin.f32 @p2 v6, $1.000000000e+00;
	v5 =	vmax.f32 @p2 v5, $0.0e+00;
	[tilespmem:s20+$0x100] =	vst @p2 v8  }
0x34: {  	s11 =	sand.u32 $0x70, s11;
	s23 =	sand.u32 $0xFFFFFC00, s30;
	[tilespmem:s20+$0x180] =	vst @p2 v6;
	v5 =	vmin.f32 @p2 v5, $1.000000000e+00  }
0x35: {  	s11 =	sor.u32 s11, s23;
	[tilespmem:s20+$0x200] =	vst @p2 v5  }
0x36: {  	v5 =	vld [tilespmem:s11+$0x380]  }
0x37: {  	v6 =	vld [tilespmem:s11+$0x400]  }
0x38: {  	v7 =	vld [tilespmem:s11+$0x280]  }
0x39: {  	v8 =	vld [tilespmem:s11+$0x300];
	_ =	sdelay $0x1  }
0x3a: {  	v5 =	vmul.f32 $5.000000000e-01, v5  }
0x3b: {  	v6 =	vmul.f32 $5.000000000e-01, v6  }
0x3c: {  	v59 =	vsub.f32 v7, v5;
	v5 =	vadd.f32 v5, v7  }
0x3d: {  	v7 =	vsub.f32 v8, v6;
	v6 =	vadd.f32 v6, v8  }
0x3e: {  	v60 =	vmul.f32 $1.250000020e-02, v59;
	v5 =	vmul.f32 $1.250000020e-02, v5  }
0x3f: {  	s31 =	sand.u32 $0xFC00, s12;
	v7 =	vmul.f32 $1.250000020e-02, v7;
	v6 =	vmul.f32 $1.250000020e-02, v6  }
0x40: {  	s11 =	sor.u32 s24, s31;
	v9 =	vclamp.gez.f32 v60, v5  }
0x41: {  	[tilespmem:s11+$0x10880] =	vst v1;
	s11 =	sadd.s32 $0x10880, s11;
	v5 =	vmax.f32 v60, v5;
	v62 =	vclamp.gez.f32 v7, v6;
	v61 =	vmin.f32 v9, $1.000000000e+00  }
0x42: {  	v6 =	vmax.f32 v7, v6;
	v5 =	vmax.f32 v5, $0.0e+00;
	v63 =	vmin.f32 v62, $1.000000000e+00;
	[tilespmem:s11+$0x80] =	vst v61  }
0x43: {  	v6 =	vmax.f32 v6, $0.0e+00;
	v5 =	vmin.f32 v5, $1.000000000e+00;
	[tilespmem:s11+$0x100] =	vst v63  }
0x44: {  	[tilespmem:s11+$0x180] =	vst v5;
	v5 =	vmin.f32 v6, $1.000000000e+00  }
0x45: {  	[tilespmem:s11+$0x200] =	vst v5  }
.LBB2_15:
0x46: {  	s19 =	sadd.s32 $0x1, s19  }
0x47: {  	p2 =	sne.s32 s19, s10  }
.Ltmp1:
0x48: {  	s11 =	rddreg [dreg:$0xf];
	s12 =	simm.s32 $0x10880;
	(pc) =	sbr.rel @!p2 .LBB2_16-.Ltmp1, $4  }
0x49: {  	[hbm4b:s11+s2] =	stream.linear.scatter [tilespmem:s12], [sflag:$0x2], $0x8400, $0x38;
	[tilespmem:$0x18C80] =	vst v63  }
0x4a: {  	_ =	swait.ge [sflag:s17], $0x8400  }
0x4b: {  	[sflag:s17] =	ssyncset.done $0x0  }
0x4c: {  	[sflag:s17] =	ssyncadd.s32 $0xFFFF7C00  }
.LBB2_1:
0x4d: {  	[tilespmem:$0x0] =	vst v2  }
0x4e: {  	v5 =	vld.msk [tilespmem:$0x0], $0xff;
	_ =	sdelay $0x4  }
0x4f: {  	v6 =	vshrl.u32 v5, $0x3  }
0x50: {  	v6 =	vmul.u32 $0x210, v6  }
0x51: {  	v5 =	vand.u32 $0x7, v5  }
0x52: {  	v5 =	vor.u32 v5, v6  }
0x53: {  	v5 =	vperm.xlane v5, v3;
	_ =	sdelay $0x1  }
0x54: {  	v5 =	vadd.s32 v4, v5;
	_ =	sdelay $0x3  }
0x55: {  	s11 =	rddreg [dreg:$0x3];
	s12 =	simm.s32 $0x80  }
0x56: {  	[tilespmem:s12], [sflag:$0x1] =	stream.indirect_vreg.gather [hbm4b:s11+s2], $0x80, v5, vm0, $0xb8;
	[tilespmem:$0x18C80] =	vst v63  }
0x57: {  	s25 =	rddreg [dreg:$0x4];
	s26 =	simm.s32 $0x880  }
0x58: {  	[tilespmem:s26], [sflag:$0x1] =	stream.indirect_vreg.gather [hbm4b:s25+s2], $0x80, v5, vm0, $0xb8;
	[tilespmem:$0x18C80] =	vst v63  }
0x59: {  	s28 =	rddreg [dreg:$0x5];
	s29 =	simm.s32 $0x1080  }
0x5a: {  	[tilespmem:s29], [sflag:$0x1] =	stream.indirect_vreg.gather [hbm4b:s28+s2], $0x80, v5, vm0, $0xb8;
	[tilespmem:$0x18C80] =	vst v63  }
0x5b: {  	s30 =	rddreg [dreg:$0x6];
	s31 =	simm.s32 $0x1880  }
0x5c: {  	[tilespmem:s31], [sflag:$0x1] =	stream.indirect_vreg.gather [hbm4b:s30+s2], $0x80, v5, vm0, $0xb8;
	[tilespmem:$0x18C80] =	vst v63  }
0x5d: {  	s20 =	simm.s32 $0x2080;
	s12 =	rddreg [dreg:$0x7]  }
0x5e: {  	[tilespmem:s20], [sflag:$0x1] =	stream.indirect_vreg.gather [hbm4b:s12+s2], $0x80, v5, vm0, $0xb8;
	[tilespmem:$0x18C80] =	vst v63  }
0x5f: {  	s23 =	rddreg [dreg:$0x8];
	s24 =	simm.s32 $0x2880  }
0x60: {  	[tilespmem:s24], [sflag:$0x1] =	stream.indirect_vreg.gather [hbm4b:s23+s2], $0x80, v5, vm0, $0xb8;
	[tilespmem:$0x18C80] =	vst v63  }
0x61: {  	s25 =	rddreg [dreg:$0x9];
	s26 =	simm.s32 $0x3080  }
0x62: {  	[tilespmem:s26], [sflag:$0x1] =	stream.indirect_vreg.gather [hbm4b:s25+s2], $0x80, v5, vm0, $0xb8;
	[tilespmem:$0x18C80] =	vst v63  }
0x63: {  	s28 =	rddreg [dreg:$0xa];
	s29 =	simm.s32 $0x3880  }
0x64: {  	[tilespmem:s29], [sflag:$0x1] =	stream.indirect_vreg.gather [hbm4b:s28+s2], $0x80, v5, vm0, $0xb8;
	[tilespmem:$0x18C80] =	vst v63  }
0x65: {  	s30 =	rddreg [dreg:$0xb];
	s31 =	simm.s32 $0x4080  }
0x66: {  	[tilespmem:s31], [sflag:$0x1] =	stream.indirect_vreg.gather [hbm4b:s30+s2], $0x80, v5, vm0, $0xb8;
	[tilespmem:$0x18C80] =	vst v63  }
0x67: {  	s12 =	rddreg [dreg:$0xc];
	s20 =	simm.s32 $0x4880  }
0x68: {  	[tilespmem:s20], [sflag:$0x1] =	stream.indirect_vreg.gather [hbm4b:s12+s2], $0x80, v5, vm0, $0xb8;
	[tilespmem:$0x18C80] =	vst v63  }
0x69: {  	s23 =	rddreg [dreg:$0xd];
	s24 =	simm.s32 $0x5080  }
0x6a: {  	[tilespmem:s24], [sflag:$0x1] =	stream.indirect_vreg.gather [hbm4b:s23+s2], $0x80, v5, vm0, $0xb8;
	[tilespmem:$0x18C80] =	vst v63  }
0x6b: {  	s25 =	rddreg [dreg:$0xe];
	s26 =	simm.s32 $0x5880  }
0x6c: {  	[tilespmem:s26], [sflag:$0x1] =	stream.indirect_vreg.gather [hbm4b:s25+s2], $0x80, v5, vm0, $0xb8;
	[tilespmem:$0x18C80] =	vst v63  }
0x6d: {  	s28 =	rddreg [dreg:$0x10];
	s29 =	simm.s32 $0x6080  }
0x6e: {  	[tilespmem:s29], [sflag:$0x1] =	stream.indirect_vreg.gather [hbm4b:s28+s2], $0x80, v5, vm0, $0xb8;
	[tilespmem:$0x18C80] =	vst v63  }
0x6f: {  	s30 =	rddreg [dreg:$0x11];
	s31 =	simm.s32 $0x6880  }
0x70: {  	[tilespmem:s31], [sflag:$0x1] =	stream.indirect_vreg.gather [hbm4b:s30+s2], $0x80, v5, vm0, $0xb8;
	[tilespmem:$0x18C80] =	vst v63  }
0x71: {  	s12 =	rddreg [dreg:$0x12];
	s20 =	simm.s32 $0x7080  }
0x72: {  	[tilespmem:s20], [sflag:$0x1] =	stream.indirect_vreg.gather [hbm4b:s12+s2], $0x80, v5, vm0, $0xb8;
	[tilespmem:$0x18C80] =	vst v63  }
0x73: {  	s23 =	rddreg [dreg:$0x13];
	s24 =	simm.s32 $0x7880  }
0x74: {  	[tilespmem:s24], [sflag:$0x1] =	stream.indirect_vreg.gather [hbm4b:s23+s2], $0x80, v5, vm0, $0xb8;
	[tilespmem:$0x18C80] =	vst v63  }
0x75: {  	s25 =	rddreg [dreg:$0x14];
	s26 =	simm.s32 $0x8080  }
0x76: {  	[tilespmem:s26], [sflag:$0x1] =	stream.indirect_vreg.gather [hbm4b:s25+s2], $0x80, v5, vm0, $0xb8;
	[tilespmem:$0x18C80] =	vst v63  }
0x77: {  	s28 =	rddreg [dreg:$0x15];
	s29 =	simm.s32 $0x8880  }
0x78: {  	[tilespmem:s29], [sflag:$0x1] =	stream.indirect_vreg.gather [hbm4b:s28+s2], $0x80, v5, vm0, $0xb8;
	[tilespmem:$0x18C80] =	vst v63  }
0x79: {  	s30 =	rddreg [dreg:$0x16];
	s31 =	simm.s32 $0x9080  }
0x7a: {  	[tilespmem:s31], [sflag:$0x1] =	stream.indirect_vreg.gather [hbm4b:s30+s2], $0x80, v5, vm0, $0xb8;
	[tilespmem:$0x18C80] =	vst v63  }
0x7b: {  	s12 =	rddreg [dreg:$0x17];
	s20 =	simm.s32 $0x9880  }
0x7c: {  	[tilespmem:s20], [sflag:$0x1] =	stream.indirect_vreg.gather [hbm4b:s12+s2], $0x80, v5, vm0, $0xb8;
	[tilespmem:$0x18C80] =	vst v63  }
0x7d: {  	s23 =	rddreg [dreg:$0x18];
	s24 =	simm.s32 $0xA080  }
0x7e: {  	[tilespmem:s24], [sflag:$0x1] =	stream.indirect_vreg.gather [hbm4b:s23+s2], $0x80, v5, vm0, $0xb8;
	[tilespmem:$0x18C80] =	vst v63  }
0x7f: {  	s25 =	rddreg [dreg:$0x19];
	s26 =	simm.s32 $0xA880  }
0x80: {  	[tilespmem:s26], [sflag:$0x1] =	stream.indirect_vreg.gather [hbm4b:s25+s2], $0x80, v5, vm0, $0xb8;
	[tilespmem:$0x18C80] =	vst v63  }
0x81: {  	s28 =	rddreg [dreg:$0x1a];
	s29 =	simm.s32 $0xB080  }
0x82: {  	[tilespmem:s29], [sflag:$0x1] =	stream.indirect_vreg.gather [hbm4b:s28+s2], $0x80, v5, vm0, $0xb8;
	[tilespmem:$0x18C80] =	vst v63  }
0x83: {  	s30 =	rddreg [dreg:$0x1b];
	s31 =	simm.s32 $0xB880  }
0x84: {  	[tilespmem:s31], [sflag:$0x1] =	stream.indirect_vreg.gather [hbm4b:s30+s2], $0x80, v5, vm0, $0xb8;
	[tilespmem:$0x18C80] =	vst v63  }
0x85: {  	s20 =	simm.s32 $0xC080  }
0x86: {  	[tilespmem:s20], [sflag:$0x1] =	stream.indirect_vreg.gather [hbm4b:s1+s2], $0x80, v5, vm0, $0xb8;
	[tilespmem:$0x18C80] =	vst v63  }
0x87: {  	s23 =	simm.s32 $0xC880  }
0x88: {  	[tilespmem:s23], [sflag:$0x1] =	stream.indirect_vreg.gather [hbm4b:s0+s2], $0x80, v5, vm0, $0xb8;
	[tilespmem:$0x18C80] =	vst v63  }
0x89: {  	s24 =	simm.s32 $0xD080  }
0x8a: {  	[tilespmem:s24], [sflag:$0x1] =	stream.indirect_vreg.gather [hbm4b:s3+s2], $0x80, v5, vm0, $0xb8;
	[tilespmem:$0x18C80] =	vst v63  }
0x8b: {  	s25 =	simm.s32 $0xD880  }
0x8c: {  	[tilespmem:s25], [sflag:$0x1] =	stream.indirect_vreg.gather [hbm4b:s4+s2], $0x80, v5, vm0, $0xb8;
	[tilespmem:$0x18C80] =	vst v63  }
0x8d: {  	s26 =	simm.s32 $0xE080  }
0x8e: {  	[tilespmem:s26], [sflag:$0x1] =	stream.indirect_vreg.gather [hbm4b:s5+s2], $0x80, v5, vm0, $0xb8;
	[tilespmem:$0x18C80] =	vst v63  }
0x8f: {  	s28 =	simm.s32 $0xE880  }
0x90: {  	[tilespmem:s28], [sflag:$0x1] =	stream.indirect_vreg.gather [hbm4b:s6+s2], $0x80, v5, vm0, $0xb8;
	[tilespmem:$0x18C80] =	vst v63  }
0x91: {  	s29 =	simm.s32 $0xF080  }
0x92: {  	[tilespmem:s29], [sflag:$0x1] =	stream.indirect_vreg.gather [hbm4b:s7+s2], $0x80, v5, vm0, $0xb8;
	[tilespmem:$0x18C80] =	vst v63  }
0x93: {  	s30 =	simm.s32 $0xF880  }
0x94: {  	[tilespmem:s30], [sflag:$0x1] =	stream.indirect_vreg.gather [hbm4b:s8+s2], $0x80, v5, vm0, $0xb8;
	[tilespmem:$0x18C80] =	vst v63  }
.Ltmp2:
0x95: {  	s31 =	simm.s32 $0x10080;
	(pc) =	sbr.rel @p0 .LBB2_8-.Ltmp2, $4  }
0x96: {  	[tilespmem:s31], [sflag:$0x1] =	stream.indirect_vreg.gather [hbm4b:s9+s2], $0x80, v5, vm0, $0xb8;
	[tilespmem:$0x18C80] =	vst v63  }
0x97: {  	_ =	swait.ge [sflag:s14], $0x10800  }
0x98: {  	[sflag:s14] =	ssyncset.done $0x0  }
0x99: {  	[sflag:s14] =	ssyncadd.s32 $0xFFFEF800  }
0x9a: {  	p3 =	sne.s32 s22, $0x10  }
.Ltmp3:
0x9b: {  	_ = 	snop;
	(pc) =	sbr.rel @!p3 .LBB2_7-.Ltmp3, $3  }
0x9c: {  	_ =	sdelay $0x1  }
0x9d: {  	s11 =	simm.s32 $0x10  }
0x9e: {  	p2 =	por $0x0, $0x0;
	s23 =	simm.s32 $0x0;
	s12 =	simm.s32 $0x0  }
0x9f: {  	p3 =	sne.s32 s22, $0x20  }
.Ltmp4:
0xa0: {  	s12 =	sadd.s32 $0x0, s15;
	s20 =	sadd.s32 $0x0, s18;
	(pc) =	sbr.rel @!p3 .LBB2_4-.Ltmp4, $4  }
0xa1: {  	s12 =	sand.u32 $0x70, s12;
	s20 =	sand.u32 $0xFFFFFC00, s20  }
0xa2: {  	s20 =	sor.u32 s12, s20  }
0xa3: {  	s23 =	simm.s32 $0x20;
	s31 =	sand.u32 $0x70, s2;
	s24 =	sand.u32 $0xFFFFFC00, s2;
	v5 =	vld [tilespmem:s20+$0x180]  }
0xa4: {  	p2 =	por $0x1, $0x1;
	s24 =	sor.u32 s31, s24;
	s12 =	simm.s32 $0x80;
	v6 =	vld [tilespmem:s20+$0x200]  }
.LBB2_5:
0xa5: {  	s25 =	sadd.s32 s11, s15  }
0xa6: {  	s26 =	sadd.s32 s12, s18;
	v7 =	vld [tilespmem:s20+$0x80];
	s28 =	smov.u32 s23;
	s23 =	sadd.s32 $0x10, s23  }
0xa7: {  	p3 =	sne.s32 s22, s23;
	s25 =	sand.u32 $0x70, s25;
	s26 =	sand.u32 $0xFFFFFC00, s26;
	v8 =	vld [tilespmem:s20+$0x100]  }
0xa8: {  	s20 =	sor.u32 s25, s26;
	[tilespmem:s24+$0x10880] =	vst v0  }
0xa9: {  	v5 =	vmul.f32 $5.000000000e-01, v5  }
0xaa: {  	v6 =	vmul.f32 $5.000000000e-01, v6  }
0xab: {  	v9 =	vsub.f32 v7, v5;
	v5 =	vadd.f32 v5, v7  }
0xac: {  	v7 =	vsub.f32 v8, v6;
	v6 =	vadd.f32 v6, v8  }
0xad: {  	v8 =	vmul.f32 $1.250000020e-02, v9;
	v5 =	vmul.f32 $1.250000020e-02, v5  }
0xae: {  	v7 =	vmul.f32 $1.250000020e-02, v7;
	v6 =	vmul.f32 $1.250000020e-02, v6  }
0xaf: {  	v9 =	vclamp.gez.f32 v8, v5;
	v5 =	vmax.f32 v8, v5  }
0xb0: {  	s24 =	sadd.s32 $0x10880, s24;
	v8 =	vmin.f32 v9, $1.000000000e+00;
	v9 =	vclamp.gez.f32 v7, v6;
	v5 =	vmax.f32 v5, $0.0e+00  }
0xb1: {  	v6 =	vmax.f32 v7, v6;
	[tilespmem:s24+$0x80] =	vst v8;
	v8 =	vmin.f32 v9, $1.000000000e+00;
	v5 =	vmin.f32 v5, $1.000000000e+00  }
.Ltmp5:
0xb2: {  	v6 =	vmax.f32 v6, $0.0e+00;
	[tilespmem:s24+$0x100] =	vst v8;
	(pc) =	sbr.rel @p3 .LBB2_5-.Ltmp5, $4  }
0xb3: {  	[tilespmem:s24+$0x180] =	vst v5;
	v5 =	vmin.f32 v6, $1.000000000e+00  }
0xb4: {  	[tilespmem:s24+$0x200] =	vst v5  }
0xb5: {  	s25 =	sand.u32 $0xFFFFFC00, s12;
	s24 =	sand.u32 $0x70, s11;
	s11 =	smov.u32 s28;
	v5 =	vld [tilespmem:s20+$0x180]  }
0xb6: {  	s12 =	sadd.s32 $0x80, s12;
	s24 =	sor.u32 s24, s25;
	v6 =	vld [tilespmem:s20+$0x200]  }
0xb7: {  	s23 =	smov.u32 s11  }
.LBB2_7:
0xb8: {  	v7 =	vld @p2 [tilespmem:s20+$0x80]  }
0xb9: {  	v8 =	vld @p2 [tilespmem:s20+$0x100];
	_ =	sdelay $0x1  }
0xba: {  	v5 =	vmul.f32 @p2 $5.000000000e-01, v5  }
0xbb: {  	v6 =	vmul.f32 @p2 $5.000000000e-01, v6  }
0xbc: {  	v9 =	vsub.f32 @p2 v7, v5;
	v5 =	vadd.f32 @p2 v5, v7  }
0xbd: {  	v7 =	vsub.f32 @p2 v8, v6;
	v6 =	vadd.f32 @p2 v6, v8  }
0xbe: {  	v8 =	vmul.f32 @p2 $1.250000020e-02, v9;
	v5 =	vmul.f32 @p2 $1.250000020e-02, v5  }
0xbf: {  	v7 =	vmul.f32 @p2 $1.250000020e-02, v7;
	v6 =	vmul.f32 @p2 $1.250000020e-02, v6  }
0xc0: {  	v9 =	vclamp.gez.f32 @p2 v8, v5  }
0xc1: {  	[tilespmem:s24+$0x10880] =	vst @p2 v0;
	s11 =	sadd.s32 @p2 $0x10880, s24;
	v5 =	vmax.f32 @p2 v8, v5;
	v8 =	vmin.f32 @p2 v9, $1.000000000e+00;
	v9 =	vclamp.gez.f32 @p2 v7, v6  }
0xc2: {  	v5 =	vmax.f32 @p2 v5, $0.0e+00;
	v6 =	vmax.f32 @p2 v7, v6;
	[tilespmem:s11+$0x80] =	vst @p2 v8;
	v8 =	vmin.f32 @p2 v9, $1.000000000e+00  }
0xc3: {  	s28 =	sadd.s32 s23, s15;
	s29 =	sadd.s32 s12, s18;
	v5 =	vmin.f32 @p2 v5, $1.000000000e+00;
	v6 =	vmax.f32 @p2 v6, $0.0e+00;
	[tilespmem:s11+$0x100] =	vst @p2 v8  }
0xc4: {  	s20 =	sand.u32 $0x70, s28;
	s24 =	sand.u32 $0xFFFFFC00, s29;
	[tilespmem:s11+$0x180] =	vst @p2 v5;
	v5 =	vmin.f32 @p2 v6, $1.000000000e+00  }
0xc5: {  	s20 =	sor.u32 s20, s24;
	[tilespmem:s11+$0x200] =	vst @p2 v5  }
0xc6: {  	v5 =	vld [tilespmem:s20+$0x180]  }
0xc7: {  	v6 =	vld [tilespmem:s20+$0x200]  }
0xc8: {  	v7 =	vld [tilespmem:s20+$0x80]  }
0xc9: {  	v8 =	vld [tilespmem:s20+$0x100];
	_ =	sdelay $0x1  }
0xca: {  	v5 =	vmul.f32 $5.000000000e-01, v5  }
0xcb: {  	v6 =	vmul.f32 $5.000000000e-01, v6  }
0xcc: {  	v59 =	vsub.f32 v7, v5;
	v5 =	vadd.f32 v5, v7  }
0xcd: {  	v7 =	vsub.f32 v8, v6;
	v6 =	vadd.f32 v6, v8  }
0xce: {  	v60 =	vmul.f32 $1.250000020e-02, v59;
	v5 =	vmul.f32 $1.250000020e-02, v5  }
0xcf: {  	s30 =	sand.u32 $0x70, s23;
	s31 =	sand.u32 $0xFFFFFC00, s12;
	v7 =	vmul.f32 $1.250000020e-02, v7;
	v6 =	vmul.f32 $1.250000020e-02, v6  }
0xd0: {  	s11 =	sor.u32 s30, s31;
	v9 =	vclamp.gez.f32 v60, v5  }
.Ltmp6:
0xd1: {  	[tilespmem:s11+$0x10880] =	vst v0;
	s11 =	sadd.s32 $0x10880, s11;
	v5 =	vmax.f32 v60, v5;
	v62 =	vclamp.gez.f32 v7, v6;
	v61 =	vmin.f32 v9, $1.000000000e+00;
	(pc) =	sbr.rel @p1 .LBB2_15-.Ltmp6, $4  }
0xd2: {  	v6 =	vmax.f32 v7, v6;
	v5 =	vmax.f32 v5, $0.0e+00;
	v63 =	vmin.f32 v62, $1.000000000e+00;
	[tilespmem:s11+$0x80] =	vst v61  }
0xd3: {  	v6 =	vmax.f32 v6, $0.0e+00;
	v5 =	vmin.f32 v5, $1.000000000e+00;
	[tilespmem:s11+$0x100] =	vst v63  }
0xd4: {  	[tilespmem:s11+$0x180] =	vst v5;
	v5 =	vmin.f32 v6, $1.000000000e+00  }
0xd5: {  	[tilespmem:s11+$0x200] =	vst v5  }
.LBB2_8:
0xd6: {  	p3 =	sne.s32 s22, $0x1070  }
.Ltmp7:
0xd7: {  	_ = 	snop;
	(pc) =	sbr.rel @!p3 .LBB2_9-.Ltmp7, $2  }
0xd8: {  	_ =	sdelay $0x2  }
0xd9: {  	s11 =	sadd.s32 $0x10, s22;
	s24 =	sand.u32 $0x70, s22;
	p2 =	por $0x0, $0x0  }
0xda: {  	p3 =	sne.s32 s11, $0x1070  }
.Ltmp8:
0xdb: {  	s12 =	sadd.s32 s22, s16;
	s20 =	sadd.s32 s21, s13;
	(pc) =	sbr.rel @!p3 .LBB2_11-.Ltmp8, $4  }
0xdc: {  	s12 =	sand.u32 $0x70, s12;
	s20 =	sand.u32 $0xFFFFFC00, s20  }
0xdd: {  	s23 =	sor.u32 s12, s20  }
0xde: {  	s26 =	sadd.s32 $0x10, s11;
	s25 =	sand.u32 $0xFC00, s21;
	v6 =	vld [tilespmem:s23+$0x380]  }
0xdf: {  	p2 =	por $0x1, $0x1;
	s20 =	sand.u32 $0x70, s11;
	s12 =	sadd.s32 $0x80, s21;
	v5 =	vld [tilespmem:s23+$0x400]  }
.LBB2_12:
0xe0: {  	s28 =	sadd.s32 s11, s16  }
0xe1: {  	s29 =	sadd.s32 s12, s13;
	v7 =	vld [tilespmem:s23+$0x280];
	s11 =	smov.u32 s26;
	s30 =	sadd.s32 $0x10, s26  }
0xe2: {  	s25 =	sor.u32 s24, s25;
	s28 =	sand.u32 $0x70, s28;
	s29 =	sand.u32 $0xFFFFFC00, s29;
	v8 =	vld [tilespmem:s23+$0x300]  }
0xe3: {  	p3 =	sne.s32 s26, $0x1070;
	s31 =	sand.u32 $0x70, s11;
	s23 =	sor.u32 s28, s29;
	[tilespmem:s25+$0x10880] =	vst v1  }
0xe4: {  	s24 =	smov.u32 s20;
	s20 =	smov.u32 s31;
	v6 =	vmul.f32 $5.000000000e-01, v6  }
0xe5: {  	v5 =	vmul.f32 $5.000000000e-01, v5  }
0xe6: {  	v9 =	vsub.f32 v7, v6;
	v6 =	vadd.f32 v6, v7  }
0xe7: {  	v7 =	vsub.f32 v8, v5;
	v5 =	vadd.f32 v5, v8  }
0xe8: {  	v8 =	vmul.f32 $1.250000020e-02, v9;
	v6 =	vmul.f32 $1.250000020e-02, v6  }
0xe9: {  	v7 =	vmul.f32 $1.250000020e-02, v7;
	v5 =	vmul.f32 $1.250000020e-02, v5  }
0xea: {  	v9 =	vclamp.gez.f32 v8, v6;
	v6 =	vmax.f32 v8, v6  }
0xeb: {  	s25 =	sadd.s32 $0x10880, s25;
	v8 =	vmin.f32 v9, $1.000000000e+00;
	v9 =	vclamp.gez.f32 v7, v5;
	v6 =	vmax.f32 v6, $0.0e+00  }
0xec: {  	v5 =	vmax.f32 v7, v5;
	[tilespmem:s25+$0x80] =	vst v8;
	v8 =	vmin.f32 v9, $1.000000000e+00;
	v6 =	vmin.f32 v6, $1.000000000e+00  }
.Ltmp9:
0xed: {  	v5 =	vmax.f32 v5, $0.0e+00;
	[tilespmem:s25+$0x100] =	vst v8;
	(pc) =	sbr.rel @p3 .LBB2_12-.Ltmp9, $4  }
0xee: {  	v5 =	vmin.f32 v5, $1.000000000e+00;
	[tilespmem:s25+$0x180] =	vst v6  }
0xef: {  	[tilespmem:s25+$0x200] =	vst v5  }
0xf0: {  	v6 =	vld [tilespmem:s23+$0x380]  }
0xf1: {  	s26 =	smov.u32 s30;
	s25 =	sand.u32 $0xFC00, s12;
	s12 =	sadd.s32 $0x80, s12;
	v5 =	vld [tilespmem:s23+$0x400]  }
.Ltmp10:
0xf2: {  	(pc) =	sbr.rel .LBB2_14-.Ltmp10, $2  }
0xf3: {  	_ =	sdelay $0x2  }
0xf4: {  	s26 =	smov.u32 s24;
	s24 =	smov.u32 s20  }
.LBB2_11:
.Ltmp11:
0xf5: {  	(pc) =	sbr.rel .LBB2_14-.Ltmp11, $2  }
0xf6: {  	_ =	sdelay $0x2  }
0xf7: {  	s26 =	smov.u32 s24;
	s24 =	smov.u32 s20  }
.LBB2_4:
.Ltmp12:
0xf8: {  	(pc) =	sbr.rel .LBB2_7-.Ltmp12, $2  }
0xf9: {  	_ =	sdelay $0x2  }
0xfa: {  	s23 =	simm.s32 $0x10  }
.LBB2_16:
0xfb: {  	_ =	sfence.sel $0x180000  }
0xfc: {  	[bflag:$0x0] =	sbarrier.arrive $0xFFFF  }
0xfd: {  	_ =	strace $0x90000047  }
0xfe: {  	s0 =	stileid.u32;
	[bflag:$0x2] =	sbarrier.arrive $0xFFFF  }
0xff: {  	p0 =	sne.s32 s0, $0x0;
	s0 =	rddreg [dreg:$0x2]  }
0x100: {  	s0 =	sadd.s32 @!p0 $0x100000, s0  }
0x101: {  	[sflag:s0] =	ssyncadd.tile.s32 @!p0 $0x1;
	_ =	shalt  }
.Lfunc_end2:
_tile_overlayer_lowered:
.L_overlay_start_2:
0x102: {  	(tag) =	ssettag $0x2  }
0x103: {  	s0 =	rddreg [dreg:$0x0];
	s2 =	stileid.u32  }
0x104: {  	s1 =	rddreg [dreg:$0x1];
	p0 =	sne.s32 s2, $0x0  }
0x105: {  	s3 =	rddreg [dreg:$0x2];
	[bflag:$0x3] =	sbarrier.arrive $0xFFFF;
	s2 =	simm.s32 @!p0 $0x1C02  }
0x106: {  	[timem:s3], [sflag:s2] =	dma.local @!p0 [hbm:s0], s1  }
0x107: {  	s0 =	simm.s32 @!p0 $0x2  }
0x108: {  	_ =	swait.ge @!p0 [sflag:s0], s1  }
0x109: {  	s1 =	ssub.s32 @!p0 $0x0, s1;
	[sflag:s0] =	ssyncset.done @!p0 $0x0  }
0x10a: {  	[sflag:s0] =	ssyncadd.s32 @!p0 s1  }
0x10b: {  	[bflag:$0x3] =	sbarrier.arrive $0xFFFF  }
0x10c: {  	_ =	shalt  }

</sc_bundles>
